<compile_context>
chip_gen: v7x
topology: tpu7x:2x2x1
jax: 0.10.2.dev20260603
libtpu: 0.0.44.dev20260713+nightly
codegen_flags: <defaults>
</compile_context>

<pallas_src>
import jax
import jax.numpy as jnp
from jax import lax
from jax.experimental import pallas as pl
from jax.experimental.pallas import tpu as pltpu
from jax.experimental.pallas import tpu_sc as plsc

B, C, H, W = 2, 128, 60, 80
HW = H * W
NVOX = 60 * 36 * 60
NTILES = 32
ROWS1 = 4808
TROWS = 2 * ROWS1
VCH = 96
NR = 2 * VCH
NCHUNK = NVOX // VCH
NITER = 44
GSPLITS = (0, 128)


def _sc_body(feat, idx, out, table_s, zbuf, idxb, cidx, rows_v,
             gsem, isem0, isem1, osem0, osem1):
    cid = lax.axis_index("c")
    sid = lax.axis_index("s")
    wid = sid * 2 + cid

    zeros16 = jnp.zeros((16,), jnp.float32)
    for i in range(8):
        for j in range(8):
            zbuf[i, pl.ds(j * 16, 16)] = zeros16
    seg0 = pl.multiple_of((sid % 8) * 600, 8)

    @pl.when(sid < 8)
    def _():
        for b in range(2):
            pltpu.sync_copy(feat.at[pl.ds(b * HW + seg0, 304), :],
                            table_s.at[pl.ds(b * ROWS1 + seg0, 304), :])

    @pl.when(sid >= 8)
    def _():
        for b in range(2):
            pltpu.sync_copy(
                feat.at[pl.ds(b * HW + seg0 + 304, 296), :],
                table_s.at[pl.ds(b * ROWS1 + seg0 + 304, 296), :])
    @pl.when(sid == 0)
    def _():
        pltpu.sync_copy(zbuf, table_s.at[pl.ds(HW, 8), :])
        pltpu.sync_copy(zbuf, table_s.at[pl.ds(ROWS1 + HW, 8), :])
    plsc.subcore_barrier()

    iota2 = lax.iota(jnp.int32, 16) * 2
    osem = (osem0, osem1)
    isem = (isem0, isem1)

    def fire_idx(ck, slot):
        v0 = ck * VCH
        rbase = slot * NR
        pltpu.async_copy(idx.at[pl.ds(v0, VCH)],
                         idxb.at[pl.ds(rbase, VCH)], isem[slot])
        pltpu.async_copy(idx.at[pl.ds(NVOX + v0, VCH)],
                         idxb.at[pl.ds(rbase + VCH, VCH)], isem[slot])

    def wait_idx(slot):
        rbase = slot * NR
        pltpu.make_async_copy(idx.at[pl.ds(0, VCH)],
                              idxb.at[pl.ds(rbase, VCH)], isem[slot]).wait()
        pltpu.make_async_copy(idx.at[pl.ds(0, VCH)],
                              idxb.at[pl.ds(rbase + VCH, VCH)],
                              isem[slot]).wait()

    fire_idx(wid, 0)

    @pl.loop(0, NITER, step=2)
    def round_pair(t0):
        for p in range(2):
            t = t0 + p
            ck = wid + NTILES * t

            @pl.when(ck < NCHUNK)
            def _(p=p, t=t, ck=ck):
                v0 = ck * VCH
                rbase = p * NR

                @pl.when(ck + NTILES < NCHUNK)
                def _():
                    fire_idx(ck + NTILES, 1 - p)

                @pl.when(t >= 2)
                def _():
                    pltpu.make_async_copy(rows_v.at[pl.ds(rbase, NR), :],
                                          out.at[pl.ds(0, NR), :],
                                          osem[p]).wait()
                wait_idx(p)

                for g in range(VCH // 16):
                    pos = iota2 + g * 32
                    iv0 = idxb[pl.ds(rbase + g * 16, 16)]
                    iv1 = idxb[pl.ds(rbase + VCH + g * 16, 16)] + ROWS1
                    plsc.store_scatter(cidx, [pos], iv0)
                    plsc.store_scatter(cidx, [pos + 1], iv1)

                descs = [pltpu.async_copy(
                    table_s.at[cidx.at[pl.ds(g0, min(128, NR - g0))]],
                    rows_v.at[pl.ds(rbase + g0, min(128, NR - g0)), :],
                    gsem) for g0 in GSPLITS]
                for d in descs:
                    d.wait()
                pltpu.async_copy(rows_v.at[pl.ds(rbase, NR), :],
                                 out.at[pl.ds(v0 * 2, NR), :], osem[p])

    for p in range(2):
        pltpu.make_async_copy(rows_v.at[pl.ds(p * NR, NR), :],
                              out.at[pl.ds(0, NR), :], osem[p]).wait()


_sc_call = pl.kernel(
    _sc_body,
    mesh=plsc.VectorSubcoreMesh(core_axis_name="c", subcore_axis_name="s"),
    compiler_params=pltpu.CompilerParams(needs_layout_passes=False),
    out_type=jax.ShapeDtypeStruct((2 * NVOX, C), jnp.float32),
    scratch_types=[
        pltpu.VMEM_SHARED((TROWS, C), jnp.float32),
        pltpu.VMEM((8, C), jnp.float32),
        pltpu.VMEM((2 * NR,), jnp.int32),
        pltpu.VMEM((NR,), jnp.int32),
        pltpu.VMEM((2 * NR, C), jnp.float32),
        pltpu.SemaphoreType.DMA,
        pltpu.SemaphoreType.DMA,
        pltpu.SemaphoreType.DMA,
        pltpu.SemaphoreType.DMA,
        pltpu.SemaphoreType.DMA,
    ],
)


@jax.jit
def kernel(feature2d, depth_mapping_3d):
    feat = feature2d.transpose(0, 2, 3, 1).reshape(B * HW, C)
    out = _sc_call(feat, depth_mapping_3d.reshape(B * NVOX))
    out = out.reshape(NVOX, B, C).transpose(1, 2, 0)
    return out.reshape(B, C, 60, 36, 60)

# --- scband reference (transcript-rebuilt; emitter-appended) ---
"""Pipeline reference for scband-projection-68444598829420 (READ-ONLY COPY).

The authoritative reference and input builder live on the scoring server;
editing this copy changes nothing except your own understanding.
"""

import jax, jax.numpy as jnp
import numpy as np

B, C, H, W = 2, 128, 60, 80
NVOX = 60 * 36 * 60  # 129600

def setup_inputs(seed: int = 0) -> dict:
    key = jax.random.key(seed)
    k1, k2 = jax.random.split(key)
    feature2d = jax.random.normal(k1, (B, C, H, W), dtype=jnp.float32)
    # indices in [0, H*W]; H*W (=4800) selects the zero vector (invalid depth)
    depth_mapping_3d = jax.random.randint(k2, (B, NVOX), 0, H * W + 1, dtype=jnp.int32)
    return {"feature2d": feature2d, "depth_mapping_3d": depth_mapping_3d}

def reference(feature2d, depth_mapping_3d):
    b, c, h, w = feature2d.shape
    # view(b, c, h*w).permute(0, 2, 1)
    f = feature2d.reshape(b, c, h * w).transpose(0, 2, 1)  # [b, h*w, c]
    zerosVec = jnp.zeros((b, 1, c), dtype=feature2d.dtype)
    segVec = jnp.concatenate([f, zerosVec], axis=1)  # [b, h*w+1, c]
    # per-batch index_select along dim 0 -> batched gather
    gathered = jnp.take_along_axis(segVec, depth_mapping_3d[:, :, None], axis=1)  # [b, NVOX, c]
    segres = gathered.transpose(0, 2, 1).reshape(b, c, 60, 36, 60)
    return segres

if __name__ == "__main__":
    import jax
    _d = setup_inputs()
    print(jax.jit(kernel)(*tuple(_d.values())))

</pallas_src>

<mosaic_0001>
#map = affine_map<(d0, d1) -> (0, 0)>
#map1 = affine_map<(d0, d1) -> (0)>
module attributes {stable_mosaic.version = 14 : i64} {
  func.func @_sc_body(%arg0: i32, %arg1: i32, %arg2: memref<9600x128xf32, #tpu.memory_space<hbm>>, %arg3: memref<259200xi32, #tpu.memory_space<hbm>>, %arg4: memref<259200x128xf32, #tpu.memory_space<hbm>>, %arg5: memref<9616x128xf32, #tpu.memory_space<vmem_shared>>, %arg6: memref<8x128xf32, #tpu.memory_space<vmem>>, %arg7: memref<384xi32, #tpu.memory_space<vmem>>, %arg8: memref<192xi32, #tpu.memory_space<vmem>>, %arg9: memref<384x128xf32, #tpu.memory_space<vmem>>, %arg10: memref<!tpu.dma_semaphore, #tpu.memory_space<semaphore_mem>>, %arg11: memref<!tpu.dma_semaphore, #tpu.memory_space<semaphore_mem>>, %arg12: memref<!tpu.dma_semaphore, #tpu.memory_space<semaphore_mem>>, %arg13: memref<!tpu.dma_semaphore, #tpu.memory_space<semaphore_mem>>, %arg14: memref<!tpu.dma_semaphore, #tpu.memory_space<semaphore_mem>>) attributes {dimension_semantics = [#tpu.dimension_semantics<core_parallel>, #tpu.dimension_semantics<subcore_parallel>], iteration_bounds = array<i64: 2, 16>, scalar_prefetch = 0 : i64, scratch_operands = 10 : i64, tpu.core_type = #tpu.core_type<sc_vector_subcore>, window_params = [{transform_indices = #map}, {transform_indices = #map1}, {transform_indices = #map}]} {
    %mul3A = arith.constant 2 : i32
    %mul3A_0 = arith.muli %arg1, %mul3A : i32
    %add3A = arith.addi %mul3A_0, %arg0 : i32
    %broadcast_in_dim3A = arith.constant 0.000000e+00 : f32
    %broadcast_in_dim3A_1 = vector.broadcast %broadcast_in_dim3A : f32 to vector<16xf32>
    %swap3A = arith.constant 0 : i32
    %swap3A_2 = arith.index_cast %swap3A : i32 to index
    %swap3A_3 = arith.constant 0 : index
    %swap3A_4 = tpu.vector_load %arg6[%swap3A_2, %swap3A_3] {strides = array<i32>} : memref<8x128xf32, #tpu.memory_space<vmem>>, vector<16xf32>,
    tpu.vector_store %arg6[%swap3A_2, %swap3A_3], %broadcast_in_dim3A_1 {strides = array<i32>} : memref<8x128xf32, #tpu.memory_space<vmem>>, vector<16xf32>,
    %swap3A_5 = arith.constant 0 : i32
    %swap3A_6 = arith.index_cast %swap3A_5 : i32 to index
    %swap3A_7 = arith.constant 16 : index
    %swap3A_8 = tpu.vector_load %arg6[%swap3A_6, %swap3A_7] {strides = array<i32>} : memref<8x128xf32, #tpu.memory_space<vmem>>, vector<16xf32>,
    tpu.vector_store %arg6[%swap3A_6, %swap3A_7], %broadcast_in_dim3A_1 {strides = array<i32>} : memref<8x128xf32, #tpu.memory_space<vmem>>, vector<16xf32>,
    %swap3A_9 = arith.constant 0 : i32
    %swap3A_10 = arith.index_cast %swap3A_9 : i32 to index
    %swap3A_11 = arith.constant 32 : index
    %swap3A_12 = tpu.vector_load %arg6[%swap3A_10, %swap3A_11] {strides = array<i32>} : memref<8x128xf32, #tpu.memory_space<vmem>>, vector<16xf32>,
    tpu.vector_store %arg6[%swap3A_10, %swap3A_11], %broadcast_in_dim3A_1 {strides = array<i32>} : memref<8x128xf32, #tpu.memory_space<vmem>>, vector<16xf32>,
    %swap3A_13 = arith.constant 0 : i32
    %swap3A_14 = arith.index_cast %swap3A_13 : i32 to index
    %swap3A_15 = arith.constant 48 : index
    %swap3A_16 = tpu.vector_load %arg6[%swap3A_14, %swap3A_15] {strides = array<i32>} : memref<8x128xf32, #tpu.memory_space<vmem>>, vector<16xf32>,
    tpu.vector_store %arg6[%swap3A_14, %swap3A_15], %broadcast_in_dim3A_1 {strides = array<i32>} : memref<8x128xf32, #tpu.memory_space<vmem>>, vector<16xf32>,
    %swap3A_17 = arith.constant 0 : i32
    %swap3A_18 = arith.index_cast %swap3A_17 : i32 to index
    %swap3A_19 = arith.constant 64 : index
    %swap3A_20 = tpu.vector_load %arg6[%swap3A_18, %swap3A_19] {strides = array<i32>} : memref<8x128xf32, #tpu.memory_space<vmem>>, vector<16xf32>,
    tpu.vector_store %arg6[%swap3A_18, %swap3A_19], %broadcast_in_dim3A_1 {strides = array<i32>} : memref<8x128xf32, #tpu.memory_space<vmem>>, vector<16xf32>,
    %swap3A_21 = arith.constant 0 : i32
    %swap3A_22 = arith.index_cast %swap3A_21 : i32 to index
    %swap3A_23 = arith.constant 80 : index
    %swap3A_24 = tpu.vector_load %arg6[%swap3A_22, %swap3A_23] {strides = array<i32>} : memref<8x128xf32, #tpu.memory_space<vmem>>, vector<16xf32>,
    tpu.vector_store %arg6[%swap3A_22, %swap3A_23], %broadcast_in_dim3A_1 {strides = array<i32>} : memref<8x128xf32, #tpu.memory_space<vmem>>, vector<16xf32>,
    %swap3A_25 = arith.constant 0 : i32
    %swap3A_26 = arith.index_cast %swap3A_25 : i32 to index
    %swap3A_27 = arith.constant 96 : index
    %swap3A_28 = tpu.vector_load %arg6[%swap3A_26, %swap3A_27] {strides = array<i32>} : memref<8x128xf32, #tpu.memory_space<vmem>>, vector<16xf32>,
    tpu.vector_store %arg6[%swap3A_26, %swap3A_27], %broadcast_in_dim3A_1 {strides = array<i32>} : memref<8x128xf32, #tpu.memory_space<vmem>>, vector<16xf32>,
    %swap3A_29 = arith.constant 0 : i32
    %swap3A_30 = arith.index_cast %swap3A_29 : i32 to index
    %swap3A_31 = arith.constant 112 : index
    %swap3A_32 = tpu.vector_load %arg6[%swap3A_30, %swap3A_31] {strides = array<i32>} : memref<8x128xf32, #tpu.memory_space<vmem>>, vector<16xf32>,
    tpu.vector_store %arg6[%swap3A_30, %swap3A_31], %broadcast_in_dim3A_1 {strides = array<i32>} : memref<8x128xf32, #tpu.memory_space<vmem>>, vector<16xf32>,
    %swap3A_33 = arith.constant 1 : i32
    %swap3A_34 = arith.index_cast %swap3A_33 : i32 to index
    %swap3A_35 = arith.constant 0 : index
    %swap3A_36 = tpu.vector_load %arg6[%swap3A_34, %swap3A_35] {strides = array<i32>} : memref<8x128xf32, #tpu.memory_space<vmem>>, vector<16xf32>,
    tpu.vector_store %arg6[%swap3A_34, %swap3A_35], %broadcast_in_dim3A_1 {strides = array<i32>} : memref<8x128xf32, #tpu.memory_space<vmem>>, vector<16xf32>,
    %swap3A_37 = arith.constant 1 : i32
    %swap3A_38 = arith.index_cast %swap3A_37 : i32 to index
    %swap3A_39 = arith.constant 16 : index
    %swap3A_40 = tpu.vector_load %arg6[%swap3A_38, %swap3A_39] {strides = array<i32>} : memref<8x128xf32, #tpu.memory_space<vmem>>, vector<16xf32>,
    tpu.vector_store %arg6[%swap3A_38, %swap3A_39], %broadcast_in_dim3A_1 {strides = array<i32>} : memref<8x128xf32, #tpu.memory_space<vmem>>, vector<16xf32>,
    %swap3A_41 = arith.constant 1 : i32
    %swap3A_42 = arith.index_cast %swap3A_41 : i32 to index
    %swap3A_43 = arith.constant 32 : index
    %swap3A_44 = tpu.vector_load %arg6[%swap3A_42, %swap3A_43] {strides = array<i32>} : memref<8x128xf32, #tpu.memory_space<vmem>>, vector<16xf32>,
    tpu.vector_store %arg6[%swap3A_42, %swap3A_43], %broadcast_in_dim3A_1 {strides = array<i32>} : memref<8x128xf32, #tpu.memory_space<vmem>>, vector<16xf32>,
    %swap3A_45 = arith.constant 1 : i32
    %swap3A_46 = arith.index_cast %swap3A_45 : i32 to index
    %swap3A_47 = arith.constant 48 : index
    %swap3A_48 = tpu.vector_load %arg6[%swap3A_46, %swap3A_47] {strides = array<i32>} : memref<8x128xf32, #tpu.memory_space<vmem>>, vector<16xf32>,
    tpu.vector_store %arg6[%swap3A_46, %swap3A_47], %broadcast_in_dim3A_1 {strides = array<i32>} : memref<8x128xf32, #tpu.memory_space<vmem>>, vector<16xf32>,
    %swap3A_49 = arith.constant 1 : i32
    %swap3A_50 = arith.index_cast %swap3A_49 : i32 to index
    %swap3A_51 = arith.constant 64 : index
    %swap3A_52 = tpu.vector_load %arg6[%swap3A_50, %swap3A_51] {strides = array<i32>} : memref<8x128xf32, #tpu.memory_space<vmem>>, vector<16xf32>,
    tpu.vector_store %arg6[%swap3A_50, %swap3A_51], %broadcast_in_dim3A_1 {strides = array<i32>} : memref<8x128xf32, #tpu.memory_space<vmem>>, vector<16xf32>,
    %swap3A_53 = arith.constant 1 : i32
    %swap3A_54 = arith.index_cast %swap3A_53 : i32 to index
    %swap3A_55 = arith.constant 80 : index
    %swap3A_56 = tpu.vector_load %arg6[%swap3A_54, %swap3A_55] {strides = array<i32>} : memref<8x128xf32, #tpu.memory_space<vmem>>, vector<16xf32>,
    tpu.vector_store %arg6[%swap3A_54, %swap3A_55], %broadcast_in_dim3A_1 {strides = array<i32>} : memref<8x128xf32, #tpu.memory_space<vmem>>, vector<16xf32>,
    %swap3A_57 = arith.constant 1 : i32
    %swap3A_58 = arith.index_cast %swap3A_57 : i32 to index
    %swap3A_59 = arith.constant 96 : index
    %swap3A_60 = tpu.vector_load %arg6[%swap3A_58, %swap3A_59] {strides = array<i32>} : memref<8x128xf32, #tpu.memory_space<vmem>>, vector<16xf32>,
    tpu.vector_store %arg6[%swap3A_58, %swap3A_59], %broadcast_in_dim3A_1 {strides = array<i32>} : memref<8x128xf32, #tpu.memory_space<vmem>>, vector<16xf32>,
    %swap3A_61 = arith.constant 1 : i32
    %swap3A_62 = arith.index_cast %swap3A_61 : i32 to index
    %swap3A_63 = arith.constant 112 : index
    %swap3A_64 = tpu.vector_load %arg6[%swap3A_62, %swap3A_63] {strides = array<i32>} : memref<8x128xf32, #tpu.memory_space<vmem>>, vector<16xf32>,
    tpu.vector_store %arg6[%swap3A_62, %swap3A_63], %broadcast_in_dim3A_1 {strides = array<i32>} : memref<8x128xf32, #tpu.memory_space<vmem>>, vector<16xf32>,
    %swap3A_65 = arith.constant 2 : i32
    %swap3A_66 = arith.index_cast %swap3A_65 : i32 to index
    %swap3A_67 = arith.constant 0 : index
    %swap3A_68 = tpu.vector_load %arg6[%swap3A_66, %swap3A_67] {strides = array<i32>} : memref<8x128xf32, #tpu.memory_space<vmem>>, vector<16xf32>,
    tpu.vector_store %arg6[%swap3A_66, %swap3A_67], %broadcast_in_dim3A_1 {strides = array<i32>} : memref<8x128xf32, #tpu.memory_space<vmem>>, vector<16xf32>,
    %swap3A_69 = arith.constant 2 : i32
    %swap3A_70 = arith.index_cast %swap3A_69 : i32 to index
    %swap3A_71 = arith.constant 16 : index
    %swap3A_72 = tpu.vector_load %arg6[%swap3A_70, %swap3A_71] {strides = array<i32>} : memref<8x128xf32, #tpu.memory_space<vmem>>, vector<16xf32>,
    tpu.vector_store %arg6[%swap3A_70, %swap3A_71], %broadcast_in_dim3A_1 {strides = array<i32>} : memref<8x128xf32, #tpu.memory_space<vmem>>, vector<16xf32>,
    %swap3A_73 = arith.constant 2 : i32
    %swap3A_74 = arith.index_cast %swap3A_73 : i32 to index
    %swap3A_75 = arith.constant 32 : index
    %swap3A_76 = tpu.vector_load %arg6[%swap3A_74, %swap3A_75] {strides = array<i32>} : memref<8x128xf32, #tpu.memory_space<vmem>>, vector<16xf32>,
    tpu.vector_store %arg6[%swap3A_74, %swap3A_75], %broadcast_in_dim3A_1 {strides = array<i32>} : memref<8x128xf32, #tpu.memory_space<vmem>>, vector<16xf32>,
    %swap3A_77 = arith.constant 2 : i32
    %swap3A_78 = arith.index_cast %swap3A_77 : i32 to index
    %swap3A_79 = arith.constant 48 : index
    %swap3A_80 = tpu.vector_load %arg6[%swap3A_78, %swap3A_79] {strides = array<i32>} : memref<8x128xf32, #tpu.memory_space<vmem>>, vector<16xf32>,
    tpu.vector_store %arg6[%swap3A_78, %swap3A_79], %broadcast_in_dim3A_1 {strides = array<i32>} : memref<8x128xf32, #tpu.memory_space<vmem>>, vector<16xf32>,
    %swap3A_81 = arith.constant 2 : i32
    %swap3A_82 = arith.index_cast %swap3A_81 : i32 to index
    %swap3A_83 = arith.constant 64 : index
    %swap3A_84 = tpu.vector_load %arg6[%swap3A_82, %swap3A_83] {strides = array<i32>} : memref<8x128xf32, #tpu.memory_space<vmem>>, vector<16xf32>,
    tpu.vector_store %arg6[%swap3A_82, %swap3A_83], %broadcast_in_dim3A_1 {strides = array<i32>} : memref<8x128xf32, #tpu.memory_space<vmem>>, vector<16xf32>,
    %swap3A_85 = arith.constant 2 : i32
    %swap3A_86 = arith.index_cast %swap3A_85 : i32 to index
    %swap3A_87 = arith.constant 80 : index
    %swap3A_88 = tpu.vector_load %arg6[%swap3A_86, %swap3A_87] {strides = array<i32>} : memref<8x128xf32, #tpu.memory_space<vmem>>, vector<16xf32>,
    tpu.vector_store %arg6[%swap3A_86, %swap3A_87], %broadcast_in_dim3A_1 {strides = array<i32>} : memref<8x128xf32, #tpu.memory_space<vmem>>, vector<16xf32>,
    %swap3A_89 = arith.constant 2 : i32
    %swap3A_90 = arith.index_cast %swap3A_89 : i32 to index
    %swap3A_91 = arith.constant 96 : index
    %swap3A_92 = tpu.vector_load %arg6[%swap3A_90, %swap3A_91] {strides = array<i32>} : memref<8x128xf32, #tpu.memory_space<vmem>>, vector<16xf32>,
    tpu.vector_store %arg6[%swap3A_90, %swap3A_91], %broadcast_in_dim3A_1 {strides = array<i32>} : memref<8x128xf32, #tpu.memory_space<vmem>>, vector<16xf32>,
    %swap3A_93 = arith.constant 2 : i32
    %swap3A_94 = arith.index_cast %swap3A_93 : i32 to index
    %swap3A_95 = arith.constant 112 : index
    %swap3A_96 = tpu.vector_load %arg6[%swap3A_94, %swap3A_95] {strides = array<i32>} : memref<8x128xf32, #tpu.memory_space<vmem>>, vector<16xf32>,
    tpu.vector_store %arg6[%swap3A_94, %swap3A_95], %broadcast_in_dim3A_1 {strides = array<i32>} : memref<8x128xf32, #tpu.memory_space<vmem>>, vector<16xf32>,
    %swap3A_97 = arith.constant 3 : i32
    %swap3A_98 = arith.index_cast %swap3A_97 : i32 to index
    %swap3A_99 = arith.constant 0 : index
    %swap3A_100 = tpu.vector_load %arg6[%swap3A_98, %swap3A_99] {strides = array<i32>} : memref<8x128xf32, #tpu.memory_space<vmem>>, vector<16xf32>,
    tpu.vector_store %arg6[%swap3A_98, %swap3A_99], %broadcast_in_dim3A_1 {strides = array<i32>} : memref<8x128xf32, #tpu.memory_space<vmem>>, vector<16xf32>,
    %swap3A_101 = arith.constant 3 : i32
    %swap3A_102 = arith.index_cast %swap3A_101 : i32 to index
    %swap3A_103 = arith.constant 16 : index
    %swap3A_104 = tpu.vector_load %arg6[%swap3A_102, %swap3A_103] {strides = array<i32>} : memref<8x128xf32, #tpu.memory_space<vmem>>, vector<16xf32>,
    tpu.vector_store %arg6[%swap3A_102, %swap3A_103], %broadcast_in_dim3A_1 {strides = array<i32>} : memref<8x128xf32, #tpu.memory_space<vmem>>, vector<16xf32>,
    %swap3A_105 = arith.constant 3 : i32
    %swap3A_106 = arith.index_cast %swap3A_105 : i32 to index
    %swap3A_107 = arith.constant 32 : index
    %swap3A_108 = tpu.vector_load %arg6[%swap3A_106, %swap3A_107] {strides = array<i32>} : memref<8x128xf32, #tpu.memory_space<vmem>>, vector<16xf32>,
    tpu.vector_store %arg6[%swap3A_106, %swap3A_107], %broadcast_in_dim3A_1 {strides = array<i32>} : memref<8x128xf32, #tpu.memory_space<vmem>>, vector<16xf32>,
    %swap3A_109 = arith.constant 3 : i32
    %swap3A_110 = arith.index_cast %swap3A_109 : i32 to index
    %swap3A_111 = arith.constant 48 : index
    %swap3A_112 = tpu.vector_load %arg6[%swap3A_110, %swap3A_111] {strides = array<i32>} : memref<8x128xf32, #tpu.memory_space<vmem>>, vector<16xf32>,
    tpu.vector_store %arg6[%swap3A_110, %swap3A_111], %broadcast_in_dim3A_1 {strides = array<i32>} : memref<8x128xf32, #tpu.memory_space<vmem>>, vector<16xf32>,
    %swap3A_113 = arith.constant 3 : i32
    %swap3A_114 = arith.index_cast %swap3A_113 : i32 to index
    %swap3A_115 = arith.constant 64 : index
    %swap3A_116 = tpu.vector_load %arg6[%swap3A_114, %swap3A_115] {strides = array<i32>} : memref<8x128xf32, #tpu.memory_space<vmem>>, vector<16xf32>,
    tpu.vector_store %arg6[%swap3A_114, %swap3A_115], %broadcast_in_dim3A_1 {strides = array<i32>} : memref<8x128xf32, #tpu.memory_space<vmem>>, vector<16xf32>,
    %swap3A_117 = arith.constant 3 : i32
    %swap3A_118 = arith.index_cast %swap3A_117 : i32 to index
    %swap3A_119 = arith.constant 80 : index
    %swap3A_120 = tpu.vector_load %arg6[%swap3A_118, %swap3A_119] {strides = array<i32>} : memref<8x128xf32, #tpu.memory_space<vmem>>, vector<16xf32>,
    tpu.vector_store %arg6[%swap3A_118, %swap3A_119], %broadcast_in_dim3A_1 {strides = array<i32>} : memref<8x128xf32, #tpu.memory_space<vmem>>, vector<16xf32>,
    %swap3A_121 = arith.constant 3 : i32
    %swap3A_122 = arith.index_cast %swap3A_121 : i32 to index
    %swap3A_123 = arith.constant 96 : index
    %swap3A_124 = tpu.vector_load %arg6[%swap3A_122, %swap3A_123] {strides = array<i32>} : memref<8x128xf32, #tpu.memory_space<vmem>>, vector<16xf32>,
    tpu.vector_store %arg6[%swap3A_122, %swap3A_123], %broadcast_in_dim3A_1 {strides = array<i32>} : memref<8x128xf32, #tpu.memory_space<vmem>>, vector<16xf32>,
    %swap3A_125 = arith.constant 3 : i32
    %swap3A_126 = arith.index_cast %swap3A_125 : i32 to index
    %swap3A_127 = arith.constant 112 : index
    %swap3A_128 = tpu.vector_load %arg6[%swap3A_126, %swap3A_127] {strides = array<i32>} : memref<8x128xf32, #tpu.memory_space<vmem>>, vector<16xf32>,
    tpu.vector_store %arg6[%swap3A_126, %swap3A_127], %broadcast_in_dim3A_1 {strides = array<i32>} : memref<8x128xf32, #tpu.memory_space<vmem>>, vector<16xf32>,
    %swap3A_129 = arith.constant 4 : i32
    %swap3A_130 = arith.index_cast %swap3A_129 : i32 to index
    %swap3A_131 = arith.constant 0 : index
    %swap3A_132 = tpu.vector_load %arg6[%swap3A_130, %swap3A_131] {strides = array<i32>} : memref<8x128xf32, #tpu.memory_space<vmem>>, vector<16xf32>,
    tpu.vector_store %arg6[%swap3A_130, %swap3A_131], %broadcast_in_dim3A_1 {strides = array<i32>} : memref<8x128xf32, #tpu.memory_space<vmem>>, vector<16xf32>,
    %swap3A_133 = arith.constant 4 : i32
    %swap3A_134 = arith.index_cast %swap3A_133 : i32 to index
    %swap3A_135 = arith.constant 16 : index
    %swap3A_136 = tpu.vector_load %arg6[%swap3A_134, %swap3A_135] {strides = array<i32>} : memref<8x128xf32, #tpu.memory_space<vmem>>, vector<16xf32>,
    tpu.vector_store %arg6[%swap3A_134, %swap3A_135], %broadcast_in_dim3A_1 {strides = array<i32>} : memref<8x128xf32, #tpu.memory_space<vmem>>, vector<16xf32>,
    %swap3A_137 = arith.constant 4 : i32
    %swap3A_138 = arith.index_cast %swap3A_137 : i32 to index
    %swap3A_139 = arith.constant 32 : index
    %swap3A_140 = tpu.vector_load %arg6[%swap3A_138, %swap3A_139] {strides = array<i32>} : memref<8x128xf32, #tpu.memory_space<vmem>>, vector<16xf32>,
    tpu.vector_store %arg6[%swap3A_138, %swap3A_139], %broadcast_in_dim3A_1 {strides = array<i32>} : memref<8x128xf32, #tpu.memory_space<vmem>>, vector<16xf32>,
    %swap3A_141 = arith.constant 4 : i32
    %swap3A_142 = arith.index_cast %swap3A_141 : i32 to index
    %swap3A_143 = arith.constant 48 : index
    %swap3A_144 = tpu.vector_load %arg6[%swap3A_142, %swap3A_143] {strides = array<i32>} : memref<8x128xf32, #tpu.memory_space<vmem>>, vector<16xf32>,
    tpu.vector_store %arg6[%swap3A_142, %swap3A_143], %broadcast_in_dim3A_1 {strides = array<i32>} : memref<8x128xf32, #tpu.memory_space<vmem>>, vector<16xf32>,
    %swap3A_145 = arith.constant 4 : i32
    %swap3A_146 = arith.index_cast %swap3A_145 : i32 to index
    %swap3A_147 = arith.constant 64 : index
    %swap3A_148 = tpu.vector_load %arg6[%swap3A_146, %swap3A_147] {strides = array<i32>} : memref<8x128xf32, #tpu.memory_space<vmem>>, vector<16xf32>,
    tpu.vector_store %arg6[%swap3A_146, %swap3A_147], %broadcast_in_dim3A_1 {strides = array<i32>} : memref<8x128xf32, #tpu.memory_space<vmem>>, vector<16xf32>,
    %swap3A_149 = arith.constant 4 : i32
    %swap3A_150 = arith.index_cast %swap3A_149 : i32 to index
    %swap3A_151 = arith.constant 80 : index
    %swap3A_152 = tpu.vector_load %arg6[%swap3A_150, %swap3A_151] {strides = array<i32>} : memref<8x128xf32, #tpu.memory_space<vmem>>, vector<16xf32>,
    tpu.vector_store %arg6[%swap3A_150, %swap3A_151], %broadcast_in_dim3A_1 {strides = array<i32>} : memref<8x128xf32, #tpu.memory_space<vmem>>, vector<16xf32>,
    %swap3A_153 = arith.constant 4 : i32
    %swap3A_154 = arith.index_cast %swap3A_153 : i32 to index
    %swap3A_155 = arith.constant 96 : index
    %swap3A_156 = tpu.vector_load %arg6[%swap3A_154, %swap3A_155] {strides = array<i32>} : memref<8x128xf32, #tpu.memory_space<vmem>>, vector<16xf32>,
    tpu.vector_store %arg6[%swap3A_154, %swap3A_155], %broadcast_in_dim3A_1 {strides = array<i32>} : memref<8x128xf32, #tpu.memory_space<vmem>>, vector<16xf32>,
    %swap3A_157 = arith.constant 4 : i32
    %swap3A_158 = arith.index_cast %swap3A_157 : i32 to index
    %swap3A_159 = arith.constant 112 : index
    %swap3A_160 = tpu.vector_load %arg6[%swap3A_158, %swap3A_159] {strides = array<i32>} : memref<8x128xf32, #tpu.memory_space<vmem>>, vector<16xf32>,
    tpu.vector_store %arg6[%swap3A_158, %swap3A_159], %broadcast_in_dim3A_1 {strides = array<i32>} : memref<8x128xf32, #tpu.memory_space<vmem>>, vector<16xf32>,
    %swap3A_161 = arith.constant 5 : i32
    %swap3A_162 = arith.index_cast %swap3A_161 : i32 to index
    %swap3A_163 = arith.constant 0 : index
    %swap3A_164 = tpu.vector_load %arg6[%swap3A_162, %swap3A_163] {strides = array<i32>} : memref<8x128xf32, #tpu.memory_space<vmem>>, vector<16xf32>,
    tpu.vector_store %arg6[%swap3A_162, %swap3A_163], %broadcast_in_dim3A_1 {strides = array<i32>} : memref<8x128xf32, #tpu.memory_space<vmem>>, vector<16xf32>,
    %swap3A_165 = arith.constant 5 : i32
    %swap3A_166 = arith.index_cast %swap3A_165 : i32 to index
    %swap3A_167 = arith.constant 16 : index
    %swap3A_168 = tpu.vector_load %arg6[%swap3A_166, %swap3A_167] {strides = array<i32>} : memref<8x128xf32, #tpu.memory_space<vmem>>, vector<16xf32>,
    tpu.vector_store %arg6[%swap3A_166, %swap3A_167], %broadcast_in_dim3A_1 {strides = array<i32>} : memref<8x128xf32, #tpu.memory_space<vmem>>, vector<16xf32>,
    %swap3A_169 = arith.constant 5 : i32
    %swap3A_170 = arith.index_cast %swap3A_169 : i32 to index
    %swap3A_171 = arith.constant 32 : index
    %swap3A_172 = tpu.vector_load %arg6[%swap3A_170, %swap3A_171] {strides = array<i32>} : memref<8x128xf32, #tpu.memory_space<vmem>>, vector<16xf32>,
    tpu.vector_store %arg6[%swap3A_170, %swap3A_171], %broadcast_in_dim3A_1 {strides = array<i32>} : memref<8x128xf32, #tpu.memory_space<vmem>>, vector<16xf32>,
    %swap3A_173 = arith.constant 5 : i32
    %swap3A_174 = arith.index_cast %swap3A_173 : i32 to index
    %swap3A_175 = arith.constant 48 : index
    %swap3A_176 = tpu.vector_load %arg6[%swap3A_174, %swap3A_175] {strides = array<i32>} : memref<8x128xf32, #tpu.memory_space<vmem>>, vector<16xf32>,
    tpu.vector_store %arg6[%swap3A_174, %swap3A_175], %broadcast_in_dim3A_1 {strides = array<i32>} : memref<8x128xf32, #tpu.memory_space<vmem>>, vector<16xf32>,
    %swap3A_177 = arith.constant 5 : i32
    %swap3A_178 = arith.index_cast %swap3A_177 : i32 to index
    %swap3A_179 = arith.constant 64 : index
    %swap3A_180 = tpu.vector_load %arg6[%swap3A_178, %swap3A_179] {strides = array<i32>} : memref<8x128xf32, #tpu.memory_space<vmem>>, vector<16xf32>,
    tpu.vector_store %arg6[%swap3A_178, %swap3A_179], %broadcast_in_dim3A_1 {strides = array<i32>} : memref<8x128xf32, #tpu.memory_space<vmem>>, vector<16xf32>,
    %swap3A_181 = arith.constant 5 : i32
    %swap3A_182 = arith.index_cast %swap3A_181 : i32 to index
    %swap3A_183 = arith.constant 80 : index
    %swap3A_184 = tpu.vector_load %arg6[%swap3A_182, %swap3A_183] {strides = array<i32>} : memref<8x128xf32, #tpu.memory_space<vmem>>, vector<16xf32>,
    tpu.vector_store %arg6[%swap3A_182, %swap3A_183], %broadcast_in_dim3A_1 {strides = array<i32>} : memref<8x128xf32, #tpu.memory_space<vmem>>, vector<16xf32>,
    %swap3A_185 = arith.constant 5 : i32
    %swap3A_186 = arith.index_cast %swap3A_185 : i32 to index
    %swap3A_187 = arith.constant 96 : index
    %swap3A_188 = tpu.vector_load %arg6[%swap3A_186, %swap3A_187] {strides = array<i32>} : memref<8x128xf32, #tpu.memory_space<vmem>>, vector<16xf32>,
    tpu.vector_store %arg6[%swap3A_186, %swap3A_187], %broadcast_in_dim3A_1 {strides = array<i32>} : memref<8x128xf32, #tpu.memory_space<vmem>>, vector<16xf32>,
    %swap3A_189 = arith.constant 5 : i32
    %swap3A_190 = arith.index_cast %swap3A_189 : i32 to index
    %swap3A_191 = arith.constant 112 : index
    %swap3A_192 = tpu.vector_load %arg6[%swap3A_190, %swap3A_191] {strides = array<i32>} : memref<8x128xf32, #tpu.memory_space<vmem>>, vector<16xf32>,
    tpu.vector_store %arg6[%swap3A_190, %swap3A_191], %broadcast_in_dim3A_1 {strides = array<i32>} : memref<8x128xf32, #tpu.memory_space<vmem>>, vector<16xf32>,
    %swap3A_193 = arith.constant 6 : i32
    %swap3A_194 = arith.index_cast %swap3A_193 : i32 to index
    %swap3A_195 = arith.constant 0 : index
    %swap3A_196 = tpu.vector_load %arg6[%swap3A_194, %swap3A_195] {strides = array<i32>} : memref<8x128xf32, #tpu.memory_space<vmem>>, vector<16xf32>,
    tpu.vector_store %arg6[%swap3A_194, %swap3A_195], %broadcast_in_dim3A_1 {strides = array<i32>} : memref<8x128xf32, #tpu.memory_space<vmem>>, vector<16xf32>,
    %swap3A_197 = arith.constant 6 : i32
    %swap3A_198 = arith.index_cast %swap3A_197 : i32 to index
    %swap3A_199 = arith.constant 16 : index
    %swap3A_200 = tpu.vector_load %arg6[%swap3A_198, %swap3A_199] {strides = array<i32>} : memref<8x128xf32, #tpu.memory_space<vmem>>, vector<16xf32>,
    tpu.vector_store %arg6[%swap3A_198, %swap3A_199], %broadcast_in_dim3A_1 {strides = array<i32>} : memref<8x128xf32, #tpu.memory_space<vmem>>, vector<16xf32>,
    %swap3A_201 = arith.constant 6 : i32
    %swap3A_202 = arith.index_cast %swap3A_201 : i32 to index
    %swap3A_203 = arith.constant 32 : index
    %swap3A_204 = tpu.vector_load %arg6[%swap3A_202, %swap3A_203] {strides = array<i32>} : memref<8x128xf32, #tpu.memory_space<vmem>>, vector<16xf32>,
    tpu.vector_store %arg6[%swap3A_202, %swap3A_203], %broadcast_in_dim3A_1 {strides = array<i32>} : memref<8x128xf32, #tpu.memory_space<vmem>>, vector<16xf32>,
    %swap3A_205 = arith.constant 6 : i32
    %swap3A_206 = arith.index_cast %swap3A_205 : i32 to index
    %swap3A_207 = arith.constant 48 : index
    %swap3A_208 = tpu.vector_load %arg6[%swap3A_206, %swap3A_207] {strides = array<i32>} : memref<8x128xf32, #tpu.memory_space<vmem>>, vector<16xf32>,
    tpu.vector_store %arg6[%swap3A_206, %swap3A_207], %broadcast_in_dim3A_1 {strides = array<i32>} : memref<8x128xf32, #tpu.memory_space<vmem>>, vector<16xf32>,
    %swap3A_209 = arith.constant 6 : i32
    %swap3A_210 = arith.index_cast %swap3A_209 : i32 to index
    %swap3A_211 = arith.constant 64 : index
    %swap3A_212 = tpu.vector_load %arg6[%swap3A_210, %swap3A_211] {strides = array<i32>} : memref<8x128xf32, #tpu.memory_space<vmem>>, vector<16xf32>,
    tpu.vector_store %arg6[%swap3A_210, %swap3A_211], %broadcast_in_dim3A_1 {strides = array<i32>} : memref<8x128xf32, #tpu.memory_space<vmem>>, vector<16xf32>,
    %swap3A_213 = arith.constant 6 : i32
    %swap3A_214 = arith.index_cast %swap3A_213 : i32 to index
    %swap3A_215 = arith.constant 80 : index
    %swap3A_216 = tpu.vector_load %arg6[%swap3A_214, %swap3A_215] {strides = array<i32>} : memref<8x128xf32, #tpu.memory_space<vmem>>, vector<16xf32>,
    tpu.vector_store %arg6[%swap3A_214, %swap3A_215], %broadcast_in_dim3A_1 {strides = array<i32>} : memref<8x128xf32, #tpu.memory_space<vmem>>, vector<16xf32>,
    %swap3A_217 = arith.constant 6 : i32
    %swap3A_218 = arith.index_cast %swap3A_217 : i32 to index
    %swap3A_219 = arith.constant 96 : index
    %swap3A_220 = tpu.vector_load %arg6[%swap3A_218, %swap3A_219] {strides = array<i32>} : memref<8x128xf32, #tpu.memory_space<vmem>>, vector<16xf32>,
    tpu.vector_store %arg6[%swap3A_218, %swap3A_219], %broadcast_in_dim3A_1 {strides = array<i32>} : memref<8x128xf32, #tpu.memory_space<vmem>>, vector<16xf32>,
    %swap3A_221 = arith.constant 6 : i32
    %swap3A_222 = arith.index_cast %swap3A_221 : i32 to index
    %swap3A_223 = arith.constant 112 : index
    %swap3A_224 = tpu.vector_load %arg6[%swap3A_222, %swap3A_223] {strides = array<i32>} : memref<8x128xf32, #tpu.memory_space<vmem>>, vector<16xf32>,
    tpu.vector_store %arg6[%swap3A_222, %swap3A_223], %broadcast_in_dim3A_1 {strides = array<i32>} : memref<8x128xf32, #tpu.memory_space<vmem>>, vector<16xf32>,
    %swap3A_225 = arith.constant 7 : i32
    %swap3A_226 = arith.index_cast %swap3A_225 : i32 to index
    %swap3A_227 = arith.constant 0 : index
    %swap3A_228 = tpu.vector_load %arg6[%swap3A_226, %swap3A_227] {strides = array<i32>} : memref<8x128xf32, #tpu.memory_space<vmem>>, vector<16xf32>,
    tpu.vector_store %arg6[%swap3A_226, %swap3A_227], %broadcast_in_dim3A_1 {strides = array<i32>} : memref<8x128xf32, #tpu.memory_space<vmem>>, vector<16xf32>,
    %swap3A_229 = arith.constant 7 : i32
    %swap3A_230 = arith.index_cast %swap3A_229 : i32 to index
    %swap3A_231 = arith.constant 16 : index
    %swap3A_232 = tpu.vector_load %arg6[%swap3A_230, %swap3A_231] {strides = array<i32>} : memref<8x128xf32, #tpu.memory_space<vmem>>, vector<16xf32>,
    tpu.vector_store %arg6[%swap3A_230, %swap3A_231], %broadcast_in_dim3A_1 {strides = array<i32>} : memref<8x128xf32, #tpu.memory_space<vmem>>, vector<16xf32>,
    %swap3A_233 = arith.constant 7 : i32
    %swap3A_234 = arith.index_cast %swap3A_233 : i32 to index
    %swap3A_235 = arith.constant 32 : index
    %swap3A_236 = tpu.vector_load %arg6[%swap3A_234, %swap3A_235] {strides = array<i32>} : memref<8x128xf32, #tpu.memory_space<vmem>>, vector<16xf32>,
    tpu.vector_store %arg6[%swap3A_234, %swap3A_235], %broadcast_in_dim3A_1 {strides = array<i32>} : memref<8x128xf32, #tpu.memory_space<vmem>>, vector<16xf32>,
    %swap3A_237 = arith.constant 7 : i32
    %swap3A_238 = arith.index_cast %swap3A_237 : i32 to index
    %swap3A_239 = arith.constant 48 : index
    %swap3A_240 = tpu.vector_load %arg6[%swap3A_238, %swap3A_239] {strides = array<i32>} : memref<8x128xf32, #tpu.memory_space<vmem>>, vector<16xf32>,
    tpu.vector_store %arg6[%swap3A_238, %swap3A_239], %broadcast_in_dim3A_1 {strides = array<i32>} : memref<8x128xf32, #tpu.memory_space<vmem>>, vector<16xf32>,
    %swap3A_241 = arith.constant 7 : i32
    %swap3A_242 = arith.index_cast %swap3A_241 : i32 to index
    %swap3A_243 = arith.constant 64 : index
    %swap3A_244 = tpu.vector_load %arg6[%swap3A_242, %swap3A_243] {strides = array<i32>} : memref<8x128xf32, #tpu.memory_space<vmem>>, vector<16xf32>,
    tpu.vector_store %arg6[%swap3A_242, %swap3A_243], %broadcast_in_dim3A_1 {strides = array<i32>} : memref<8x128xf32, #tpu.memory_space<vmem>>, vector<16xf32>,
    %swap3A_245 = arith.constant 7 : i32
    %swap3A_246 = arith.index_cast %swap3A_245 : i32 to index
    %swap3A_247 = arith.constant 80 : index
    %swap3A_248 = tpu.vector_load %arg6[%swap3A_246, %swap3A_247] {strides = array<i32>} : memref<8x128xf32, #tpu.memory_space<vmem>>, vector<16xf32>,
    tpu.vector_store %arg6[%swap3A_246, %swap3A_247], %broadcast_in_dim3A_1 {strides = array<i32>} : memref<8x128xf32, #tpu.memory_space<vmem>>, vector<16xf32>,
    %swap3A_249 = arith.constant 7 : i32
    %swap3A_250 = arith.index_cast %swap3A_249 : i32 to index
    %swap3A_251 = arith.constant 96 : index
    %swap3A_252 = tpu.vector_load %arg6[%swap3A_250, %swap3A_251] {strides = array<i32>} : memref<8x128xf32, #tpu.memory_space<vmem>>, vector<16xf32>,
    tpu.vector_store %arg6[%swap3A_250, %swap3A_251], %broadcast_in_dim3A_1 {strides = array<i32>} : memref<8x128xf32, #tpu.memory_space<vmem>>, vector<16xf32>,
    %swap3A_253 = arith.constant 7 : i32
    %swap3A_254 = arith.index_cast %swap3A_253 : i32 to index
    %swap3A_255 = arith.constant 112 : index
    %swap3A_256 = tpu.vector_load %arg6[%swap3A_254, %swap3A_255] {strides = array<i32>} : memref<8x128xf32, #tpu.memory_space<vmem>>, vector<16xf32>,
    tpu.vector_store %arg6[%swap3A_254, %swap3A_255], %broadcast_in_dim3A_1 {strides = array<i32>} : memref<8x128xf32, #tpu.memory_space<vmem>>, vector<16xf32>,
    %jit3A = arith.constant 8 : i32
    %eq3A = arith.constant 0 : i32
    %eq3A_257 = arith.cmpi eq, %jit3A, %eq3A : i32
    %jit3A_258 = arith.constant 1 : i32
    %select_n3A = arith.select %eq3A_257, %jit3A_258, %jit3A : i32
    %rem3A = arith.remsi %arg1, %select_n3A : i32
    %ne3A = arith.constant 0 : i32
    %ne3A_259 = arith.cmpi ne, %rem3A, %ne3A : i32
    %lt3A = arith.constant 0 : i32
    %lt3A_260 = arith.cmpi slt, %rem3A, %lt3A : i32
    %lt3A_261 = arith.constant 0 : i32
    %lt3A_262 = arith.cmpi slt, %select_n3A, %lt3A_261 : i32
    %ne3A_263 = arith.xori %lt3A_260, %lt3A_262 : i1
    %and3A = arith.andi %ne3A_263, %ne3A_259 : i1
    %add3A_264 = arith.addi %rem3A, %select_n3A : i32
    %select_n3A_265 = arith.select %and3A, %add3A_264, %rem3A : i32
    %mul3A_266 = arith.constant 600 : i32
    %mul3A_267 = arith.muli %select_n3A_265, %mul3A_266 : i32
    %multiple_of3A = tpu.assume_multiple %mul3A_267, 8 : i32
    %lt3A_268 = arith.constant 8 : i32
    %lt3A_269 = arith.cmpi slt, %arg1, %lt3A_268 : i32
    %convert_element_type3A = arith.extui %lt3A_269 : i1 to i32
    %cond3A = arith.constant 0 : i32
    %cond3A_270 = arith.cmpi ne, %convert_element_type3A, %cond3A : i32
    scf.if %cond3A_270 {
      %add3A_325 = arith.constant 0 : i32
      %add3A_326 = arith.addi %add3A_325, %multiple_of3A : i32
      %add3A_327 = arith.constant 0 : i32
      %add3A_328 = arith.addi %add3A_327, %multiple_of3A : i32
      "tpu.region"() ({
        %run_scoped3A = tpu.sem_alloc : memref<!tpu.dma_semaphore, #tpu.memory_space<semaphore_mem>>
        %dma_start3A_333 = arith.constant 0 : i32
        %dma_start3A_334 = tpu.memref_slice %arg5[%add3A_328, %dma_start3A_333] : memref<9616x128xf32, #tpu.memory_space<vmem_shared>> -> memref<304x128xf32, #tpu.memory_space<vmem_shared>>
        %dma_start3A_335 = arith.constant 0 : i32
        %dma_start3A_336 = tpu.memref_slice %arg2[%add3A_326, %dma_start3A_335] : memref<9600x128xf32, #tpu.memory_space<hbm>> -> memref<304x128xf32, #tpu.memory_space<hbm>>
        tpu.enqueue_dma source(%dma_start3A_336 : memref<304x128xf32, #tpu.memory_space<hbm>>) target(%dma_start3A_334 : memref<304x128xf32, #tpu.memory_space<vmem_shared>>) target_semaphore(%run_scoped3A : memref<!tpu.dma_semaphore, #tpu.memory_space<semaphore_mem>>)
        %dma_wait3A_337 = arith.constant 0 : i32
        %dma_wait3A_338 = tpu.memref_slice %arg5[%add3A_328, %dma_wait3A_337] : memref<9616x128xf32, #tpu.memory_space<vmem_shared>> -> memref<304x128xf32, #tpu.memory_space<vmem_shared>>
        %dma_wait3A_339 = arith.constant 0 : i32
        %dma_wait3A_340 = tpu.memref_slice %arg2[%add3A_326, %dma_wait3A_339] : memref<9600x128xf32, #tpu.memory_space<hbm>> -> memref<304x128xf32, #tpu.memory_space<hbm>>
        tpu.wait_dma2 semaphore(%run_scoped3A : memref<!tpu.dma_semaphore, #tpu.memory_space<semaphore_mem>>) src(%dma_wait3A_340 : memref<304x128xf32, #tpu.memory_space<hbm>>) dst(%dma_wait3A_338 : memref<304x128xf32, #tpu.memory_space<vmem_shared>>)
        tpu.yield
      }) : () -> ()
      %add3A_329 = arith.constant 4800 : i32
      %add3A_330 = arith.addi %add3A_329, %multiple_of3A : i32
      %add3A_331 = arith.constant 4808 : i32
      %add3A_332 = arith.addi %add3A_331, %multiple_of3A : i32
      "tpu.region"() ({
        %run_scoped3A = tpu.sem_alloc : memref<!tpu.dma_semaphore, #tpu.memory_space<semaphore_mem>>
        %dma_start3A_333 = arith.constant 0 : i32
        %dma_start3A_334 = tpu.memref_slice %arg5[%add3A_332, %dma_start3A_333] : memref<9616x128xf32, #tpu.memory_space<vmem_shared>> -> memref<304x128xf32, #tpu.memory_space<vmem_shared>>
        %dma_start3A_335 = arith.constant 0 : i32
        %dma_start3A_336 = tpu.memref_slice %arg2[%add3A_330, %dma_start3A_335] : memref<9600x128xf32, #tpu.memory_space<hbm>> -> memref<304x128xf32, #tpu.memory_space<hbm>>
        tpu.enqueue_dma source(%dma_start3A_336 : memref<304x128xf32, #tpu.memory_space<hbm>>) target(%dma_start3A_334 : memref<304x128xf32, #tpu.memory_space<vmem_shared>>) target_semaphore(%run_scoped3A : memref<!tpu.dma_semaphore, #tpu.memory_space<semaphore_mem>>)
        %dma_wait3A_337 = arith.constant 0 : i32
        %dma_wait3A_338 = tpu.memref_slice %arg5[%add3A_332, %dma_wait3A_337] : memref<9616x128xf32, #tpu.memory_space<vmem_shared>> -> memref<304x128xf32, #tpu.memory_space<vmem_shared>>
        %dma_wait3A_339 = arith.constant 0 : i32
        %dma_wait3A_340 = tpu.memref_slice %arg2[%add3A_330, %dma_wait3A_339] : memref<9600x128xf32, #tpu.memory_space<hbm>> -> memref<304x128xf32, #tpu.memory_space<hbm>>
        tpu.wait_dma2 semaphore(%run_scoped3A : memref<!tpu.dma_semaphore, #tpu.memory_space<semaphore_mem>>) src(%dma_wait3A_340 : memref<304x128xf32, #tpu.memory_space<hbm>>) dst(%dma_wait3A_338 : memref<304x128xf32, #tpu.memory_space<vmem_shared>>)
        tpu.yield
      }) : () -> ()
    } else {
    }
    %ge3A = arith.constant 8 : i32
    %ge3A_271 = arith.cmpi sge, %arg1, %ge3A : i32
    %convert_element_type3A_272 = arith.extui %ge3A_271 : i1 to i32
    %cond3A_273 = arith.constant 0 : i32
    %cond3A_274 = arith.cmpi ne, %convert_element_type3A_272, %cond3A_273 : i32
    scf.if %cond3A_274 {
      %add3A_325 = arith.constant 0 : i32
      %add3A_326 = arith.addi %add3A_325, %multiple_of3A : i32
      %add3A_327 = arith.constant 304 : i32
      %add3A_328 = arith.addi %add3A_326, %add3A_327 : i32
      %add3A_329 = arith.constant 0 : i32
      %add3A_330 = arith.addi %add3A_329, %multiple_of3A : i32
      %add3A_331 = arith.constant 304 : i32
      %add3A_332 = arith.addi %add3A_330, %add3A_331 : i32
      "tpu.region"() ({
        %run_scoped3A = tpu.sem_alloc : memref<!tpu.dma_semaphore, #tpu.memory_space<semaphore_mem>>
        %dma_start3A_341 = arith.constant 0 : i32
        %dma_start3A_342 = tpu.memref_slice %arg5[%add3A_332, %dma_start3A_341] : memref<9616x128xf32, #tpu.memory_space<vmem_shared>> -> memref<296x128xf32, #tpu.memory_space<vmem_shared>>
        %dma_start3A_343 = arith.constant 0 : i32
        %dma_start3A_344 = tpu.memref_slice %arg2[%add3A_328, %dma_start3A_343] : memref<9600x128xf32, #tpu.memory_space<hbm>> -> memref<296x128xf32, #tpu.memory_space<hbm>>
        tpu.enqueue_dma source(%dma_start3A_344 : memref<296x128xf32, #tpu.memory_space<hbm>>) target(%dma_start3A_342 : memref<296x128xf32, #tpu.memory_space<vmem_shared>>) target_semaphore(%run_scoped3A : memref<!tpu.dma_semaphore, #tpu.memory_space<semaphore_mem>>)
        %dma_wait3A_345 = arith.constant 0 : i32
        %dma_wait3A_346 = tpu.memref_slice %arg5[%add3A_332, %dma_wait3A_345] : memref<9616x128xf32, #tpu.memory_space<vmem_shared>> -> memref<296x128xf32, #tpu.memory_space<vmem_shared>>
        %dma_wait3A_347 = arith.constant 0 : i32
        %dma_wait3A_348 = tpu.memref_slice %arg2[%add3A_328, %dma_wait3A_347] : memref<9600x128xf32, #tpu.memory_space<hbm>> -> memref<296x128xf32, #tpu.memory_space<hbm>>
        tpu.wait_dma2 semaphore(%run_scoped3A : memref<!tpu.dma_semaphore, #tpu.memory_space<semaphore_mem>>) src(%dma_wait3A_348 : memref<296x128xf32, #tpu.memory_space<hbm>>) dst(%dma_wait3A_346 : memref<296x128xf32, #tpu.memory_space<vmem_shared>>)
        tpu.yield
      }) : () -> ()
      %add3A_333 = arith.constant 4800 : i32
      %add3A_334 = arith.addi %add3A_333, %multiple_of3A : i32
      %add3A_335 = arith.constant 304 : i32
      %add3A_336 = arith.addi %add3A_334, %add3A_335 : i32
      %add3A_337 = arith.constant 4808 : i32
      %add3A_338 = arith.addi %add3A_337, %multiple_of3A : i32
      %add3A_339 = arith.constant 304 : i32
      %add3A_340 = arith.addi %add3A_338, %add3A_339 : i32
      "tpu.region"() ({
        %run_scoped3A = tpu.sem_alloc : memref<!tpu.dma_semaphore, #tpu.memory_space<semaphore_mem>>
        %dma_start3A_341 = arith.constant 0 : i32
        %dma_start3A_342 = tpu.memref_slice %arg5[%add3A_340, %dma_start3A_341] : memref<9616x128xf32, #tpu.memory_space<vmem_shared>> -> memref<296x128xf32, #tpu.memory_space<vmem_shared>>
        %dma_start3A_343 = arith.constant 0 : i32
        %dma_start3A_344 = tpu.memref_slice %arg2[%add3A_336, %dma_start3A_343] : memref<9600x128xf32, #tpu.memory_space<hbm>> -> memref<296x128xf32, #tpu.memory_space<hbm>>
        tpu.enqueue_dma source(%dma_start3A_344 : memref<296x128xf32, #tpu.memory_space<hbm>>) target(%dma_start3A_342 : memref<296x128xf32, #tpu.memory_space<vmem_shared>>) target_semaphore(%run_scoped3A : memref<!tpu.dma_semaphore, #tpu.memory_space<semaphore_mem>>)
        %dma_wait3A_345 = arith.constant 0 : i32
        %dma_wait3A_346 = tpu.memref_slice %arg5[%add3A_340, %dma_wait3A_345] : memref<9616x128xf32, #tpu.memory_space<vmem_shared>> -> memref<296x128xf32, #tpu.memory_space<vmem_shared>>
        %dma_wait3A_347 = arith.constant 0 : i32
        %dma_wait3A_348 = tpu.memref_slice %arg2[%add3A_336, %dma_wait3A_347] : memref<9600x128xf32, #tpu.memory_space<hbm>> -> memref<296x128xf32, #tpu.memory_space<hbm>>
        tpu.wait_dma2 semaphore(%run_scoped3A : memref<!tpu.dma_semaphore, #tpu.memory_space<semaphore_mem>>) src(%dma_wait3A_348 : memref<296x128xf32, #tpu.memory_space<hbm>>) dst(%dma_wait3A_346 : memref<296x128xf32, #tpu.memory_space<vmem_shared>>)
        tpu.yield
      }) : () -> ()
    } else {
    }
    %eq3A_275 = arith.constant 0 : i32
    %eq3A_276 = arith.cmpi eq, %arg1, %eq3A_275 : i32
    %convert_element_type3A_277 = arith.extui %eq3A_276 : i1 to i32
    %cond3A_278 = arith.constant 0 : i32
    %cond3A_279 = arith.cmpi ne, %convert_element_type3A_277, %cond3A_278 : i32
    scf.if %cond3A_279 {
      "tpu.region"() ({
        %run_scoped3A = tpu.sem_alloc : memref<!tpu.dma_semaphore, #tpu.memory_space<semaphore_mem>>
        %dma_start3A_325 = arith.constant 4800 : i32
        %dma_start3A_326 = arith.constant 0 : i32
        %dma_start3A_327 = tpu.memref_slice %arg5[%dma_start3A_325, %dma_start3A_326] : memref<9616x128xf32, #tpu.memory_space<vmem_shared>> -> memref<8x128xf32, #tpu.memory_space<vmem_shared>>
        %dma_start3A_328 = arith.constant 4800 : i32
        %dma_start3A_329 = arith.constant 0 : i32
        %dma_start3A_330 = tpu.memref_slice %arg5[%dma_start3A_328, %dma_start3A_329] : memref<9616x128xf32, #tpu.memory_space<vmem_shared>> -> memref<8x128xf32, #tpu.memory_space<vmem_shared>>
        tpu.enqueue_dma source(%arg6 : memref<8x128xf32, #tpu.memory_space<vmem>>) target(%dma_start3A_330 : memref<8x128xf32, #tpu.memory_space<vmem_shared>>) target_semaphore(%run_scoped3A : memref<!tpu.dma_semaphore, #tpu.memory_space<semaphore_mem>>)
        %dma_wait3A_331 = arith.constant 4800 : i32
        %dma_wait3A_332 = arith.constant 0 : i32
        %dma_wait3A_333 = tpu.memref_slice %arg5[%dma_wait3A_331, %dma_wait3A_332] : memref<9616x128xf32, #tpu.memory_space<vmem_shared>> -> memref<8x128xf32, #tpu.memory_space<vmem_shared>>
        %dma_wait3A_334 = arith.constant 4800 : i32
        %dma_wait3A_335 = arith.constant 0 : i32
        %dma_wait3A_336 = tpu.memref_slice %arg5[%dma_wait3A_334, %dma_wait3A_335] : memref<9616x128xf32, #tpu.memory_space<vmem_shared>> -> memref<8x128xf32, #tpu.memory_space<vmem_shared>>
        tpu.wait_dma2 semaphore(%run_scoped3A : memref<!tpu.dma_semaphore, #tpu.memory_space<semaphore_mem>>) src(%arg6 : memref<8x128xf32, #tpu.memory_space<vmem>>) dst(%dma_wait3A_336 : memref<8x128xf32, #tpu.memory_space<vmem_shared>>)
        tpu.yield
      }) : () -> ()
      "tpu.region"() ({
        %run_scoped3A = tpu.sem_alloc : memref<!tpu.dma_semaphore, #tpu.memory_space<semaphore_mem>>
        %dma_start3A_325 = arith.constant 9608 : i32
        %dma_start3A_326 = arith.constant 0 : i32
        %dma_start3A_327 = tpu.memref_slice %arg5[%dma_start3A_325, %dma_start3A_326] : memref<9616x128xf32, #tpu.memory_space<vmem_shared>> -> memref<8x128xf32, #tpu.memory_space<vmem_shared>>
        %dma_start3A_328 = arith.constant 9608 : i32
        %dma_start3A_329 = arith.constant 0 : i32
        %dma_start3A_330 = tpu.memref_slice %arg5[%dma_start3A_328, %dma_start3A_329] : memref<9616x128xf32, #tpu.memory_space<vmem_shared>> -> memref<8x128xf32, #tpu.memory_space<vmem_shared>>
        tpu.enqueue_dma source(%arg6 : memref<8x128xf32, #tpu.memory_space<vmem>>) target(%dma_start3A_330 : memref<8x128xf32, #tpu.memory_space<vmem_shared>>) target_semaphore(%run_scoped3A : memref<!tpu.dma_semaphore, #tpu.memory_space<semaphore_mem>>)
        %dma_wait3A_331 = arith.constant 9608 : i32
        %dma_wait3A_332 = arith.constant 0 : i32
        %dma_wait3A_333 = tpu.memref_slice %arg5[%dma_wait3A_331, %dma_wait3A_332] : memref<9616x128xf32, #tpu.memory_space<vmem_shared>> -> memref<8x128xf32, #tpu.memory_space<vmem_shared>>
        %dma_wait3A_334 = arith.constant 9608 : i32
        %dma_wait3A_335 = arith.constant 0 : i32
        %dma_wait3A_336 = tpu.memref_slice %arg5[%dma_wait3A_334, %dma_wait3A_335] : memref<9616x128xf32, #tpu.memory_space<vmem_shared>> -> memref<8x128xf32, #tpu.memory_space<vmem_shared>>
        tpu.wait_dma2 semaphore(%run_scoped3A : memref<!tpu.dma_semaphore, #tpu.memory_space<semaphore_mem>>) src(%arg6 : memref<8x128xf32, #tpu.memory_space<vmem>>) dst(%dma_wait3A_336 : memref<8x128xf32, #tpu.memory_space<vmem_shared>>)
        tpu.yield
      }) : () -> ()
    } else {
    }
    %barrier3A = arith.constant 0 : index
    tpu.barrier barrier_id(%barrier3A)
    %iota3A = tpu.iota {dimensions = array<i32: 0>} : vector<16xi32>
    %mul3A_280 = arith.constant 2 : i32
    %mul3A_281 = vector.broadcast %mul3A_280 : i32 to vector<16xi32>
    %mul3A_282 = arith.muli %iota3A, %mul3A_281 : vector<16xi32>
    %mul3A_283 = arith.constant 96 : i32
    %mul3A_284 = arith.muli %add3A, %mul3A_283 : i32
    %dma_start3A = arith.constant 0 : i32
    %dma_start3A_285 = tpu.memref_slice %arg7[%dma_start3A] : memref<384xi32, #tpu.memory_space<vmem>> -> memref<96xi32, #tpu.memory_space<vmem>>
    %dma_start3A_286 = tpu.memref_slice %arg3[%mul3A_284] : memref<259200xi32, #tpu.memory_space<hbm>> -> memref<96xi32, #tpu.memory_space<hbm>>
    %dma_start3A_287 = arith.constant 0 : i32
    %dma_start3A_288 = tpu.memref_slice %arg7[%dma_start3A_287] : memref<384xi32, #tpu.memory_space<vmem>> -> memref<96xi32, #tpu.memory_space<vmem>>
    %dma_start3A_289 = tpu.memref_slice %arg3[%mul3A_284] : memref<259200xi32, #tpu.memory_space<hbm>> -> memref<96xi32, #tpu.memory_space<hbm>>
    tpu.enqueue_dma source(%dma_start3A_289 : memref<96xi32, #tpu.memory_space<hbm>>) target(%dma_start3A_288 : memref<96xi32, #tpu.memory_space<vmem>>) target_semaphore(%arg11 : memref<!tpu.dma_semaphore, #tpu.memory_space<semaphore_mem>>)
    %add3A_290 = arith.constant 129600 : i32
    %add3A_291 = arith.addi %add3A_290, %mul3A_284 : i32
    %dma_start3A_292 = arith.constant 96 : i32
    %dma_start3A_293 = tpu.memref_slice %arg7[%dma_start3A_292] : memref<384xi32, #tpu.memory_space<vmem>> -> memref<96xi32, #tpu.memory_space<vmem>>
    %dma_start3A_294 = tpu.memref_slice %arg3[%add3A_291] : memref<259200xi32, #tpu.memory_space<hbm>> -> memref<96xi32, #tpu.memory_space<hbm>>
    %dma_start3A_295 = arith.constant 96 : i32
    %dma_start3A_296 = tpu.memref_slice %arg7[%dma_start3A_295] : memref<384xi32, #tpu.memory_space<vmem>> -> memref<96xi32, #tpu.memory_space<vmem>>
    %dma_start3A_297 = tpu.memref_slice %arg3[%add3A_291] : memref<259200xi32, #tpu.memory_space<hbm>> -> memref<96xi32, #tpu.memory_space<hbm>>
    tpu.enqueue_dma source(%dma_start3A_297 : memref<96xi32, #tpu.memory_space<hbm>>) target(%dma_start3A_296 : memref<96xi32, #tpu.memory_space<vmem>>) target_semaphore(%arg11 : memref<!tpu.dma_semaphore, #tpu.memory_space<semaphore_mem>>)
    %scan3A = arith.constant 0 : i32
    %scan3A_298 = arith.constant 22 : i32
    %scan3A_299 = arith.addi %scan3A, %scan3A_298 : i32
    %scan3A_300 = arith.constant 1 : i32
    scf.for %scan3A_325 = %scan3A to %scan3A_299 step %scan3A_300  : i32 {
      %mul3A_326 = arith.constant 2 : i32
      %mul3A_327 = arith.muli %scan3A_325, %mul3A_326 : i32
      %add3A_328 = arith.constant 0 : i32
      %add3A_329 = arith.addi %add3A_328, %mul3A_327 : i32
      %add3A_330 = arith.constant 0 : i32
      %add3A_331 = arith.addi %add3A_329, %add3A_330 : i32
      %mul3A_332 = arith.constant 32 : i32
      %mul3A_333 = arith.muli %mul3A_332, %add3A_331 : i32
      %add3A_334 = arith.addi %add3A, %mul3A_333 : i32
      %lt3A_335 = arith.constant 1350 : i32
      %lt3A_336 = arith.cmpi slt, %add3A_334, %lt3A_335 : i32
      %convert_element_type3A_337 = arith.extui %lt3A_336 : i1 to i32
      %cond3A_338 = arith.constant 0 : i32
      %cond3A_339 = arith.cmpi ne, %convert_element_type3A_337, %cond3A_338 : i32
      scf.if %cond3A_339 {
        %mul3A_350 = arith.constant 96 : i32
        %mul3A_351 = arith.muli %add3A_334, %mul3A_350 : i32
        %add3A_352 = arith.constant 32 : i32
        %add3A_353 = arith.addi %add3A_334, %add3A_352 : i32
        %lt3A_354 = arith.constant 1350 : i32
        %lt3A_355 = arith.cmpi slt, %add3A_353, %lt3A_354 : i32
        %convert_element_type3A_356 = arith.extui %lt3A_355 : i1 to i32
        %cond3A_357 = arith.constant 0 : i32
        %cond3A_358 = arith.cmpi ne, %convert_element_type3A_356, %cond3A_357 : i32
        scf.if %cond3A_358 {
          %add3A_501 = arith.constant 32 : i32
          %add3A_502 = arith.addi %add3A_334, %add3A_501 : i32
          %mul3A_503 = arith.constant 96 : i32
          %mul3A_504 = arith.muli %add3A_502, %mul3A_503 : i32
          %dma_start3A_505 = arith.constant 192 : i32
          %dma_start3A_506 = tpu.memref_slice %arg7[%dma_start3A_505] : memref<384xi32, #tpu.memory_space<vmem>> -> memref<96xi32, #tpu.memory_space<vmem>>
          %dma_start3A_507 = tpu.memref_slice %arg3[%mul3A_504] : memref<259200xi32, #tpu.memory_space<hbm>> -> memref<96xi32, #tpu.memory_space<hbm>>
          %dma_start3A_508 = arith.constant 192 : i32
          %dma_start3A_509 = tpu.memref_slice %arg7[%dma_start3A_508] : memref<384xi32, #tpu.memory_space<vmem>> -> memref<96xi32, #tpu.memory_space<vmem>>
          %dma_start3A_510 = tpu.memref_slice %arg3[%mul3A_504] : memref<259200xi32, #tpu.memory_space<hbm>> -> memref<96xi32, #tpu.memory_space<hbm>>
          tpu.enqueue_dma source(%dma_start3A_510 : memref<96xi32, #tpu.memory_space<hbm>>) target(%dma_start3A_509 : memref<96xi32, #tpu.memory_space<vmem>>) target_semaphore(%arg12 : memref<!tpu.dma_semaphore, #tpu.memory_space<semaphore_mem>>)
          %add3A_511 = arith.constant 129600 : i32
          %add3A_512 = arith.addi %add3A_511, %mul3A_504 : i32
          %dma_start3A_513 = arith.constant 288 : i32
          %dma_start3A_514 = tpu.memref_slice %arg7[%dma_start3A_513] : memref<384xi32, #tpu.memory_space<vmem>> -> memref<96xi32, #tpu.memory_space<vmem>>
          %dma_start3A_515 = tpu.memref_slice %arg3[%add3A_512] : memref<259200xi32, #tpu.memory_space<hbm>> -> memref<96xi32, #tpu.memory_space<hbm>>
          %dma_start3A_516 = arith.constant 288 : i32
          %dma_start3A_517 = tpu.memref_slice %arg7[%dma_start3A_516] : memref<384xi32, #tpu.memory_space<vmem>> -> memref<96xi32, #tpu.memory_space<vmem>>
          %dma_start3A_518 = tpu.memref_slice %arg3[%add3A_512] : memref<259200xi32, #tpu.memory_space<hbm>> -> memref<96xi32, #tpu.memory_space<hbm>>
          tpu.enqueue_dma source(%dma_start3A_518 : memref<96xi32, #tpu.memory_space<hbm>>) target(%dma_start3A_517 : memref<96xi32, #tpu.memory_space<vmem>>) target_semaphore(%arg12 : memref<!tpu.dma_semaphore, #tpu.memory_space<semaphore_mem>>)
        } else {
        }
        %ge3A_359 = arith.constant 2 : i32
        %ge3A_360 = arith.cmpi sge, %add3A_331, %ge3A_359 : i32
        %convert_element_type3A_361 = arith.extui %ge3A_360 : i1 to i32
        %cond3A_362 = arith.constant 0 : i32
        %cond3A_363 = arith.cmpi ne, %convert_element_type3A_361, %cond3A_362 : i32
        scf.if %cond3A_363 {
          %dma_wait3A_501 = arith.constant 0 : i32
          %dma_wait3A_502 = arith.constant 0 : i32
          %dma_wait3A_503 = tpu.memref_slice %arg9[%dma_wait3A_501, %dma_wait3A_502] : memref<384x128xf32, #tpu.memory_space<vmem>> -> memref<192x128xf32, #tpu.memory_space<vmem>>
          %dma_wait3A_504 = arith.constant 0 : i32
          %dma_wait3A_505 = arith.constant 0 : i32
          %dma_wait3A_506 = tpu.memref_slice %arg4[%dma_wait3A_504, %dma_wait3A_505] : memref<259200x128xf32, #tpu.memory_space<hbm>> -> memref<192x128xf32, #tpu.memory_space<hbm>>
          %dma_wait3A_507 = arith.constant 0 : i32
          %dma_wait3A_508 = arith.constant 0 : i32
          %dma_wait3A_509 = tpu.memref_slice %arg4[%dma_wait3A_507, %dma_wait3A_508] : memref<259200x128xf32, #tpu.memory_space<hbm>> -> memref<192x128xf32, #tpu.memory_space<hbm>>
          %dma_wait3A_510 = arith.constant 0 : i32
          %dma_wait3A_511 = arith.constant 0 : i32
          %dma_wait3A_512 = tpu.memref_slice %arg9[%dma_wait3A_510, %dma_wait3A_511] : memref<384x128xf32, #tpu.memory_space<vmem>> -> memref<192x128xf32, #tpu.memory_space<vmem>>
          tpu.wait_dma2 semaphore(%arg13 : memref<!tpu.dma_semaphore, #tpu.memory_space<semaphore_mem>>) src(%dma_wait3A_512 : memref<192x128xf32, #tpu.memory_space<vmem>>) dst(%dma_wait3A_509 : memref<192x128xf32, #tpu.memory_space<hbm>>)
        } else {
        }
        %dma_wait3A_364 = arith.constant 0 : i32
        %dma_wait3A_365 = tpu.memref_slice %arg7[%dma_wait3A_364] : memref<384xi32, #tpu.memory_space<vmem>> -> memref<96xi32, #tpu.memory_space<vmem>>
        %dma_wait3A_366 = arith.constant 0 : i32
        %dma_wait3A_367 = tpu.memref_slice %arg3[%dma_wait3A_366] : memref<259200xi32, #tpu.memory_space<hbm>> -> memref<96xi32, #tpu.memory_space<hbm>>
        %dma_wait3A_368 = arith.constant 0 : i32
        %dma_wait3A_369 = tpu.memref_slice %arg7[%dma_wait3A_368] : memref<384xi32, #tpu.memory_space<vmem>> -> memref<96xi32, #tpu.memory_space<vmem>>
        %dma_wait3A_370 = arith.constant 0 : i32
        %dma_wait3A_371 = tpu.memref_slice %arg3[%dma_wait3A_370] : memref<259200xi32, #tpu.memory_space<hbm>> -> memref<96xi32, #tpu.memory_space<hbm>>
        tpu.wait_dma2 semaphore(%arg11 : memref<!tpu.dma_semaphore, #tpu.memory_space<semaphore_mem>>) src(%dma_wait3A_371 : memref<96xi32, #tpu.memory_space<hbm>>) dst(%dma_wait3A_369 : memref<96xi32, #tpu.memory_space<vmem>>)
        %dma_wait3A_372 = arith.constant 96 : i32
        %dma_wait3A_373 = tpu.memref_slice %arg7[%dma_wait3A_372] : memref<384xi32, #tpu.memory_space<vmem>> -> memref<96xi32, #tpu.memory_space<vmem>>
        %dma_wait3A_374 = arith.constant 0 : i32
        %dma_wait3A_375 = tpu.memref_slice %arg3[%dma_wait3A_374] : memref<259200xi32, #tpu.memory_space<hbm>> -> memref<96xi32, #tpu.memory_space<hbm>>
        %dma_wait3A_376 = arith.constant 96 : i32
        %dma_wait3A_377 = tpu.memref_slice %arg7[%dma_wait3A_376] : memref<384xi32, #tpu.memory_space<vmem>> -> memref<96xi32, #tpu.memory_space<vmem>>
        %dma_wait3A_378 = arith.constant 0 : i32
        %dma_wait3A_379 = tpu.memref_slice %arg3[%dma_wait3A_378] : memref<259200xi32, #tpu.memory_space<hbm>> -> memref<96xi32, #tpu.memory_space<hbm>>
        tpu.wait_dma2 semaphore(%arg11 : memref<!tpu.dma_semaphore, #tpu.memory_space<semaphore_mem>>) src(%dma_wait3A_379 : memref<96xi32, #tpu.memory_space<hbm>>) dst(%dma_wait3A_377 : memref<96xi32, #tpu.memory_space<vmem>>)
        %add3A_380 = arith.constant 0 : i32
        %add3A_381 = vector.broadcast %add3A_380 : i32 to vector<16xi32>
        %add3A_382 = arith.addi %mul3A_282, %add3A_381 : vector<16xi32>
        %get3A = arith.constant 0 : index
        %get3A_383 = tpu.vector_load %arg7[%get3A] {strides = array<i32>} : memref<384xi32, #tpu.memory_space<vmem>>, vector<16xi32>,
        %get3A_384 = arith.constant 96 : index
        %get3A_385 = tpu.vector_load %arg7[%get3A_384] {strides = array<i32>} : memref<384xi32, #tpu.memory_space<vmem>>, vector<16xi32>,
        %add3A_386 = arith.constant 4808 : i32
        %add3A_387 = vector.broadcast %add3A_386 : i32 to vector<16xi32>
        %add3A_388 = arith.addi %get3A_385, %add3A_387 : vector<16xi32>
        tpu.vector_store_idx %arg8[%add3A_382], %get3A_383 : memref<192xi32, #tpu.memory_space<vmem>>[vector<16xi32>], vector<16xi32>,
        %add3A_389 = arith.constant 1 : i32
        %add3A_390 = vector.broadcast %add3A_389 : i32 to vector<16xi32>
        %add3A_391 = arith.addi %add3A_382, %add3A_390 : vector<16xi32>
        tpu.vector_store_idx %arg8[%add3A_391], %add3A_388 : memref<192xi32, #tpu.memory_space<vmem>>[vector<16xi32>], vector<16xi32>,
        %add3A_392 = arith.constant 32 : i32
        %add3A_393 = vector.broadcast %add3A_392 : i32 to vector<16xi32>
        %add3A_394 = arith.addi %mul3A_282, %add3A_393 : vector<16xi32>
        %get3A_395 = arith.constant 16 : index
        %get3A_396 = tpu.vector_load %arg7[%get3A_395] {strides = array<i32>} : memref<384xi32, #tpu.memory_space<vmem>>, vector<16xi32>,
        %get3A_397 = arith.constant 112 : index
        %get3A_398 = tpu.vector_load %arg7[%get3A_397] {strides = array<i32>} : memref<384xi32, #tpu.memory_space<vmem>>, vector<16xi32>,
        %add3A_399 = arith.constant 4808 : i32
        %add3A_400 = vector.broadcast %add3A_399 : i32 to vector<16xi32>
        %add3A_401 = arith.addi %get3A_398, %add3A_400 : vector<16xi32>
        tpu.vector_store_idx %arg8[%add3A_394], %get3A_396 : memref<192xi32, #tpu.memory_space<vmem>>[vector<16xi32>], vector<16xi32>,
        %add3A_402 = arith.constant 1 : i32
        %add3A_403 = vector.broadcast %add3A_402 : i32 to vector<16xi32>
        %add3A_404 = arith.addi %add3A_394, %add3A_403 : vector<16xi32>
        tpu.vector_store_idx %arg8[%add3A_404], %add3A_401 : memref<192xi32, #tpu.memory_space<vmem>>[vector<16xi32>], vector<16xi32>,
        %add3A_405 = arith.constant 64 : i32
        %add3A_406 = vector.broadcast %add3A_405 : i32 to vector<16xi32>
        %add3A_407 = arith.addi %mul3A_282, %add3A_406 : vector<16xi32>
        %get3A_408 = arith.constant 32 : index
        %get3A_409 = tpu.vector_load %arg7[%get3A_408] {strides = array<i32>} : memref<384xi32, #tpu.memory_space<vmem>>, vector<16xi32>,
        %get3A_410 = arith.constant 128 : index
        %get3A_411 = tpu.vector_load %arg7[%get3A_410] {strides = array<i32>} : memref<384xi32, #tpu.memory_space<vmem>>, vector<16xi32>,
        %add3A_412 = arith.constant 4808 : i32
        %add3A_413 = vector.broadcast %add3A_412 : i32 to vector<16xi32>
        %add3A_414 = arith.addi %get3A_411, %add3A_413 : vector<16xi32>
        tpu.vector_store_idx %arg8[%add3A_407], %get3A_409 : memref<192xi32, #tpu.memory_space<vmem>>[vector<16xi32>], vector<16xi32>,
        %add3A_415 = arith.constant 1 : i32
        %add3A_416 = vector.broadcast %add3A_415 : i32 to vector<16xi32>
        %add3A_417 = arith.addi %add3A_407, %add3A_416 : vector<16xi32>
        tpu.vector_store_idx %arg8[%add3A_417], %add3A_414 : memref<192xi32, #tpu.memory_space<vmem>>[vector<16xi32>], vector<16xi32>,
        %add3A_418 = arith.constant 96 : i32
        %add3A_419 = vector.broadcast %add3A_418 : i32 to vector<16xi32>
        %add3A_420 = arith.addi %mul3A_282, %add3A_419 : vector<16xi32>
        %get3A_421 = arith.constant 48 : index
        %get3A_422 = tpu.vector_load %arg7[%get3A_421] {strides = array<i32>} : memref<384xi32, #tpu.memory_space<vmem>>, vector<16xi32>,
        %get3A_423 = arith.constant 144 : index
        %get3A_424 = tpu.vector_load %arg7[%get3A_423] {strides = array<i32>} : memref<384xi32, #tpu.memory_space<vmem>>, vector<16xi32>,
        %add3A_425 = arith.constant 4808 : i32
        %add3A_426 = vector.broadcast %add3A_425 : i32 to vector<16xi32>
        %add3A_427 = arith.addi %get3A_424, %add3A_426 : vector<16xi32>
        tpu.vector_store_idx %arg8[%add3A_420], %get3A_422 : memref<192xi32, #tpu.memory_space<vmem>>[vector<16xi32>], vector<16xi32>,
        %add3A_428 = arith.constant 1 : i32
        %add3A_429 = vector.broadcast %add3A_428 : i32 to vector<16xi32>
        %add3A_430 = arith.addi %add3A_420, %add3A_429 : vector<16xi32>
        tpu.vector_store_idx %arg8[%add3A_430], %add3A_427 : memref<192xi32, #tpu.memory_space<vmem>>[vector<16xi32>], vector<16xi32>,
        %add3A_431 = arith.constant 128 : i32
        %add3A_432 = vector.broadcast %add3A_431 : i32 to vector<16xi32>
        %add3A_433 = arith.addi %mul3A_282, %add3A_432 : vector<16xi32>
        %get3A_434 = arith.constant 64 : index
        %get3A_435 = tpu.vector_load %arg7[%get3A_434] {strides = array<i32>} : memref<384xi32, #tpu.memory_space<vmem>>, vector<16xi32>,
        %get3A_436 = arith.constant 160 : index
        %get3A_437 = tpu.vector_load %arg7[%get3A_436] {strides = array<i32>} : memref<384xi32, #tpu.memory_space<vmem>>, vector<16xi32>,
        %add3A_438 = arith.constant 4808 : i32
        %add3A_439 = vector.broadcast %add3A_438 : i32 to vector<16xi32>
        %add3A_440 = arith.addi %get3A_437, %add3A_439 : vector<16xi32>
        tpu.vector_store_idx %arg8[%add3A_433], %get3A_435 : memref<192xi32, #tpu.memory_space<vmem>>[vector<16xi32>], vector<16xi32>,
        %add3A_441 = arith.constant 1 : i32
        %add3A_442 = vector.broadcast %add3A_441 : i32 to vector<16xi32>
        %add3A_443 = arith.addi %add3A_433, %add3A_442 : vector<16xi32>
        tpu.vector_store_idx %arg8[%add3A_443], %add3A_440 : memref<192xi32, #tpu.memory_space<vmem>>[vector<16xi32>], vector<16xi32>,
        %add3A_444 = arith.constant 160 : i32
        %add3A_445 = vector.broadcast %add3A_444 : i32 to vector<16xi32>
        %add3A_446 = arith.addi %mul3A_282, %add3A_445 : vector<16xi32>
        %get3A_447 = arith.constant 80 : index
        %get3A_448 = tpu.vector_load %arg7[%get3A_447] {strides = array<i32>} : memref<384xi32, #tpu.memory_space<vmem>>, vector<16xi32>,
        %get3A_449 = arith.constant 176 : index
        %get3A_450 = tpu.vector_load %arg7[%get3A_449] {strides = array<i32>} : memref<384xi32, #tpu.memory_space<vmem>>, vector<16xi32>,
        %add3A_451 = arith.constant 4808 : i32
        %add3A_452 = vector.broadcast %add3A_451 : i32 to vector<16xi32>
        %add3A_453 = arith.addi %get3A_450, %add3A_452 : vector<16xi32>
        tpu.vector_store_idx %arg8[%add3A_446], %get3A_448 : memref<192xi32, #tpu.memory_space<vmem>>[vector<16xi32>], vector<16xi32>,
        %add3A_454 = arith.constant 1 : i32
        %add3A_455 = vector.broadcast %add3A_454 : i32 to vector<16xi32>
        %add3A_456 = arith.addi %add3A_446, %add3A_455 : vector<16xi32>
        tpu.vector_store_idx %arg8[%add3A_456], %add3A_453 : memref<192xi32, #tpu.memory_space<vmem>>[vector<16xi32>], vector<16xi32>,
        %dma_start3A_457 = arith.constant 0 : i32
        %dma_start3A_458 = arith.constant 0 : i32
        %dma_start3A_459 = tpu.memref_slice %arg9[%dma_start3A_457, %dma_start3A_458] : memref<384x128xf32, #tpu.memory_space<vmem>> -> memref<128x128xf32, #tpu.memory_space<vmem>>
        %dma_start3A_460 = arith.constant 0 : i32
        %dma_start3A_461 = tpu.memref_slice %arg8[%dma_start3A_460] : memref<192xi32, #tpu.memory_space<vmem>> -> memref<128xi32, #tpu.memory_space<vmem>>
        %dma_start3A_462 = arith.constant 0 : i32
        %dma_start3A_463 = arith.constant 0 : i32
        %dma_start3A_464 = tpu.memref_slice %arg5[%dma_start3A_462, %dma_start3A_463] : memref<9616x128xf32, #tpu.memory_space<vmem_shared>> -> memref<9616x128xf32, #tpu.memory_space<vmem_shared>>
        tpu.enqueue_indirect_dma source(%dma_start3A_464 : memref<9616x128xf32, #tpu.memory_space<vmem_shared>>) target(%dma_start3A_459 : memref<128x128xf32, #tpu.memory_space<vmem>>) offsets(%dma_start3A_461 : memref<128xi32, #tpu.memory_space<vmem>>) semaphore(%arg10 : memref<!tpu.dma_semaphore, #tpu.memory_space<semaphore_mem>>)
        %dma_start3A_465 = arith.constant 128 : i32
        %dma_start3A_466 = arith.constant 0 : i32
        %dma_start3A_467 = tpu.memref_slice %arg9[%dma_start3A_465, %dma_start3A_466] : memref<384x128xf32, #tpu.memory_space<vmem>> -> memref<64x128xf32, #tpu.memory_space<vmem>>
        %dma_start3A_468 = arith.constant 128 : i32
        %dma_start3A_469 = tpu.memref_slice %arg8[%dma_start3A_468] : memref<192xi32, #tpu.memory_space<vmem>> -> memref<64xi32, #tpu.memory_space<vmem>>
        %dma_start3A_470 = arith.constant 0 : i32
        %dma_start3A_471 = arith.constant 0 : i32
        %dma_start3A_472 = tpu.memref_slice %arg5[%dma_start3A_470, %dma_start3A_471] : memref<9616x128xf32, #tpu.memory_space<vmem_shared>> -> memref<9616x128xf32, #tpu.memory_space<vmem_shared>>
        tpu.enqueue_indirect_dma source(%dma_start3A_472 : memref<9616x128xf32, #tpu.memory_space<vmem_shared>>) target(%dma_start3A_467 : memref<64x128xf32, #tpu.memory_space<vmem>>) offsets(%dma_start3A_469 : memref<64xi32, #tpu.memory_space<vmem>>) semaphore(%arg10 : memref<!tpu.dma_semaphore, #tpu.memory_space<semaphore_mem>>)
        %dma_wait3A_473 = arith.constant 0 : i32
        %dma_wait3A_474 = arith.constant 0 : i32
        %dma_wait3A_475 = tpu.memref_slice %arg9[%dma_wait3A_473, %dma_wait3A_474] : memref<384x128xf32, #tpu.memory_space<vmem>> -> memref<128x128xf32, #tpu.memory_space<vmem>>
        %dma_wait3A_476 = arith.constant 0 : i32
        %dma_wait3A_477 = tpu.memref_slice %arg8[%dma_wait3A_476] : memref<192xi32, #tpu.memory_space<vmem>> -> memref<128xi32, #tpu.memory_space<vmem>>
        %dma_wait3A_478 = arith.constant 0 : i32
        %dma_wait3A_479 = arith.constant 0 : i32
        %dma_wait3A_480 = tpu.memref_slice %arg5[%dma_wait3A_478, %dma_wait3A_479] : memref<9616x128xf32, #tpu.memory_space<vmem_shared>> -> memref<9616x128xf32, #tpu.memory_space<vmem_shared>>
        tpu.wait_indirect_dma semaphore(%arg10 : memref<!tpu.dma_semaphore, #tpu.memory_space<semaphore_mem>>) src(%dma_wait3A_480 : memref<9616x128xf32, #tpu.memory_space<vmem_shared>>) dst(%dma_wait3A_475 : memref<128x128xf32, #tpu.memory_space<vmem>>)
        %dma_wait3A_481 = arith.constant 128 : i32
        %dma_wait3A_482 = arith.constant 0 : i32
        %dma_wait3A_483 = tpu.memref_slice %arg9[%dma_wait3A_481, %dma_wait3A_482] : memref<384x128xf32, #tpu.memory_space<vmem>> -> memref<64x128xf32, #tpu.memory_space<vmem>>
        %dma_wait3A_484 = arith.constant 128 : i32
        %dma_wait3A_485 = tpu.memref_slice %arg8[%dma_wait3A_484] : memref<192xi32, #tpu.memory_space<vmem>> -> memref<64xi32, #tpu.memory_space<vmem>>
        %dma_wait3A_486 = arith.constant 0 : i32
        %dma_wait3A_487 = arith.constant 0 : i32
        %dma_wait3A_488 = tpu.memref_slice %arg5[%dma_wait3A_486, %dma_wait3A_487] : memref<9616x128xf32, #tpu.memory_space<vmem_shared>> -> memref<9616x128xf32, #tpu.memory_space<vmem_shared>>
        tpu.wait_indirect_dma semaphore(%arg10 : memref<!tpu.dma_semaphore, #tpu.memory_space<semaphore_mem>>) src(%dma_wait3A_488 : memref<9616x128xf32, #tpu.memory_space<vmem_shared>>) dst(%dma_wait3A_483 : memref<64x128xf32, #tpu.memory_space<vmem>>)
        %mul3A_489 = arith.constant 2 : i32
        %mul3A_490 = arith.muli %mul3A_351, %mul3A_489 : i32
        %dma_start3A_491 = arith.constant 0 : i32
        %dma_start3A_492 = arith.constant 0 : i32
        %dma_start3A_493 = tpu.memref_slice %arg9[%dma_start3A_491, %dma_start3A_492] : memref<384x128xf32, #tpu.memory_space<vmem>> -> memref<192x128xf32, #tpu.memory_space<vmem>>
        %dma_start3A_494 = arith.constant 0 : i32
        %dma_start3A_495 = tpu.memref_slice %arg4[%mul3A_490, %dma_start3A_494] : memref<259200x128xf32, #tpu.memory_space<hbm>> -> memref<192x128xf32, #tpu.memory_space<hbm>>
        %dma_start3A_496 = arith.constant 0 : i32
        %dma_start3A_497 = tpu.memref_slice %arg4[%mul3A_490, %dma_start3A_496] : memref<259200x128xf32, #tpu.memory_space<hbm>> -> memref<192x128xf32, #tpu.memory_space<hbm>>
        %dma_start3A_498 = arith.constant 0 : i32
        %dma_start3A_499 = arith.constant 0 : i32
        %dma_start3A_500 = tpu.memref_slice %arg9[%dma_start3A_498, %dma_start3A_499] : memref<384x128xf32, #tpu.memory_space<vmem>> -> memref<192x128xf32, #tpu.memory_space<vmem>>
        tpu.enqueue_dma source(%dma_start3A_500 : memref<192x128xf32, #tpu.memory_space<vmem>>) target(%dma_start3A_497 : memref<192x128xf32, #tpu.memory_space<hbm>>) target_semaphore(%arg13 : memref<!tpu.dma_semaphore, #tpu.memory_space<semaphore_mem>>)
      } else {
      }
      %add3A_340 = arith.constant 1 : i32
      %add3A_341 = arith.addi %add3A_329, %add3A_340 : i32
      %mul3A_342 = arith.constant 32 : i32
      %mul3A_343 = arith.muli %mul3A_342, %add3A_341 : i32
      %add3A_344 = arith.addi %add3A, %mul3A_343 : i32
      %lt3A_345 = arith.constant 1350 : i32
      %lt3A_346 = arith.cmpi slt, %add3A_344, %lt3A_345 : i32
      %convert_element_type3A_347 = arith.extui %lt3A_346 : i1 to i32
      %cond3A_348 = arith.constant 0 : i32
      %cond3A_349 = arith.cmpi ne, %convert_element_type3A_347, %cond3A_348 : i32
      scf.if %cond3A_349 {
        %mul3A_350 = arith.constant 96 : i32
        %mul3A_351 = arith.muli %add3A_344, %mul3A_350 : i32
        %add3A_352 = arith.constant 32 : i32
        %add3A_353 = arith.addi %add3A_344, %add3A_352 : i32
        %lt3A_354 = arith.constant 1350 : i32
        %lt3A_355 = arith.cmpi slt, %add3A_353, %lt3A_354 : i32
        %convert_element_type3A_356 = arith.extui %lt3A_355 : i1 to i32
        %cond3A_357 = arith.constant 0 : i32
        %cond3A_358 = arith.cmpi ne, %convert_element_type3A_356, %cond3A_357 : i32
        scf.if %cond3A_358 {
          %add3A_501 = arith.constant 32 : i32
          %add3A_502 = arith.addi %add3A_344, %add3A_501 : i32
          %mul3A_503 = arith.constant 96 : i32
          %mul3A_504 = arith.muli %add3A_502, %mul3A_503 : i32
          %dma_start3A_505 = arith.constant 0 : i32
          %dma_start3A_506 = tpu.memref_slice %arg7[%dma_start3A_505] : memref<384xi32, #tpu.memory_space<vmem>> -> memref<96xi32, #tpu.memory_space<vmem>>
          %dma_start3A_507 = tpu.memref_slice %arg3[%mul3A_504] : memref<259200xi32, #tpu.memory_space<hbm>> -> memref<96xi32, #tpu.memory_space<hbm>>
          %dma_start3A_508 = arith.constant 0 : i32
          %dma_start3A_509 = tpu.memref_slice %arg7[%dma_start3A_508] : memref<384xi32, #tpu.memory_space<vmem>> -> memref<96xi32, #tpu.memory_space<vmem>>
          %dma_start3A_510 = tpu.memref_slice %arg3[%mul3A_504] : memref<259200xi32, #tpu.memory_space<hbm>> -> memref<96xi32, #tpu.memory_space<hbm>>
          tpu.enqueue_dma source(%dma_start3A_510 : memref<96xi32, #tpu.memory_space<hbm>>) target(%dma_start3A_509 : memref<96xi32, #tpu.memory_space<vmem>>) target_semaphore(%arg11 : memref<!tpu.dma_semaphore, #tpu.memory_space<semaphore_mem>>)
          %add3A_511 = arith.constant 129600 : i32
          %add3A_512 = arith.addi %add3A_511, %mul3A_504 : i32
          %dma_start3A_513 = arith.constant 96 : i32
          %dma_start3A_514 = tpu.memref_slice %arg7[%dma_start3A_513] : memref<384xi32, #tpu.memory_space<vmem>> -> memref<96xi32, #tpu.memory_space<vmem>>
          %dma_start3A_515 = tpu.memref_slice %arg3[%add3A_512] : memref<259200xi32, #tpu.memory_space<hbm>> -> memref<96xi32, #tpu.memory_space<hbm>>
          %dma_start3A_516 = arith.constant 96 : i32
          %dma_start3A_517 = tpu.memref_slice %arg7[%dma_start3A_516] : memref<384xi32, #tpu.memory_space<vmem>> -> memref<96xi32, #tpu.memory_space<vmem>>
          %dma_start3A_518 = tpu.memref_slice %arg3[%add3A_512] : memref<259200xi32, #tpu.memory_space<hbm>> -> memref<96xi32, #tpu.memory_space<hbm>>
          tpu.enqueue_dma source(%dma_start3A_518 : memref<96xi32, #tpu.memory_space<hbm>>) target(%dma_start3A_517 : memref<96xi32, #tpu.memory_space<vmem>>) target_semaphore(%arg11 : memref<!tpu.dma_semaphore, #tpu.memory_space<semaphore_mem>>)
        } else {
        }
        %ge3A_359 = arith.constant 2 : i32
        %ge3A_360 = arith.cmpi sge, %add3A_341, %ge3A_359 : i32
        %convert_element_type3A_361 = arith.extui %ge3A_360 : i1 to i32
        %cond3A_362 = arith.constant 0 : i32
        %cond3A_363 = arith.cmpi ne, %convert_element_type3A_361, %cond3A_362 : i32
        scf.if %cond3A_363 {
          %dma_wait3A_501 = arith.constant 192 : i32
          %dma_wait3A_502 = arith.constant 0 : i32
          %dma_wait3A_503 = tpu.memref_slice %arg9[%dma_wait3A_501, %dma_wait3A_502] : memref<384x128xf32, #tpu.memory_space<vmem>> -> memref<192x128xf32, #tpu.memory_space<vmem>>
          %dma_wait3A_504 = arith.constant 0 : i32
          %dma_wait3A_505 = arith.constant 0 : i32
          %dma_wait3A_506 = tpu.memref_slice %arg4[%dma_wait3A_504, %dma_wait3A_505] : memref<259200x128xf32, #tpu.memory_space<hbm>> -> memref<192x128xf32, #tpu.memory_space<hbm>>
          %dma_wait3A_507 = arith.constant 0 : i32
          %dma_wait3A_508 = arith.constant 0 : i32
          %dma_wait3A_509 = tpu.memref_slice %arg4[%dma_wait3A_507, %dma_wait3A_508] : memref<259200x128xf32, #tpu.memory_space<hbm>> -> memref<192x128xf32, #tpu.memory_space<hbm>>
          %dma_wait3A_510 = arith.constant 192 : i32
          %dma_wait3A_511 = arith.constant 0 : i32
          %dma_wait3A_512 = tpu.memref_slice %arg9[%dma_wait3A_510, %dma_wait3A_511] : memref<384x128xf32, #tpu.memory_space<vmem>> -> memref<192x128xf32, #tpu.memory_space<vmem>>
          tpu.wait_dma2 semaphore(%arg14 : memref<!tpu.dma_semaphore, #tpu.memory_space<semaphore_mem>>) src(%dma_wait3A_512 : memref<192x128xf32, #tpu.memory_space<vmem>>) dst(%dma_wait3A_509 : memref<192x128xf32, #tpu.memory_space<hbm>>)
        } else {
        }
        %dma_wait3A_364 = arith.constant 192 : i32
        %dma_wait3A_365 = tpu.memref_slice %arg7[%dma_wait3A_364] : memref<384xi32, #tpu.memory_space<vmem>> -> memref<96xi32, #tpu.memory_space<vmem>>
        %dma_wait3A_366 = arith.constant 0 : i32
        %dma_wait3A_367 = tpu.memref_slice %arg3[%dma_wait3A_366] : memref<259200xi32, #tpu.memory_space<hbm>> -> memref<96xi32, #tpu.memory_space<hbm>>
        %dma_wait3A_368 = arith.constant 192 : i32
        %dma_wait3A_369 = tpu.memref_slice %arg7[%dma_wait3A_368] : memref<384xi32, #tpu.memory_space<vmem>> -> memref<96xi32, #tpu.memory_space<vmem>>
        %dma_wait3A_370 = arith.constant 0 : i32
        %dma_wait3A_371 = tpu.memref_slice %arg3[%dma_wait3A_370] : memref<259200xi32, #tpu.memory_space<hbm>> -> memref<96xi32, #tpu.memory_space<hbm>>
        tpu.wait_dma2 semaphore(%arg12 : memref<!tpu.dma_semaphore, #tpu.memory_space<semaphore_mem>>) src(%dma_wait3A_371 : memref<96xi32, #tpu.memory_space<hbm>>) dst(%dma_wait3A_369 : memref<96xi32, #tpu.memory_space<vmem>>)
        %dma_wait3A_372 = arith.constant 288 : i32
        %dma_wait3A_373 = tpu.memref_slice %arg7[%dma_wait3A_372] : memref<384xi32, #tpu.memory_space<vmem>> -> memref<96xi32, #tpu.memory_space<vmem>>
        %dma_wait3A_374 = arith.constant 0 : i32
        %dma_wait3A_375 = tpu.memref_slice %arg3[%dma_wait3A_374] : memref<259200xi32, #tpu.memory_space<hbm>> -> memref<96xi32, #tpu.memory_space<hbm>>
        %dma_wait3A_376 = arith.constant 288 : i32
        %dma_wait3A_377 = tpu.memref_slice %arg7[%dma_wait3A_376] : memref<384xi32, #tpu.memory_space<vmem>> -> memref<96xi32, #tpu.memory_space<vmem>>
        %dma_wait3A_378 = arith.constant 0 : i32
        %dma_wait3A_379 = tpu.memref_slice %arg3[%dma_wait3A_378] : memref<259200xi32, #tpu.memory_space<hbm>> -> memref<96xi32, #tpu.memory_space<hbm>>
        tpu.wait_dma2 semaphore(%arg12 : memref<!tpu.dma_semaphore, #tpu.memory_space<semaphore_mem>>) src(%dma_wait3A_379 : memref<96xi32, #tpu.memory_space<hbm>>) dst(%dma_wait3A_377 : memref<96xi32, #tpu.memory_space<vmem>>)
        %add3A_380 = arith.constant 0 : i32
        %add3A_381 = vector.broadcast %add3A_380 : i32 to vector<16xi32>
        %add3A_382 = arith.addi %mul3A_282, %add3A_381 : vector<16xi32>
        %get3A = arith.constant 192 : index
        %get3A_383 = tpu.vector_load %arg7[%get3A] {strides = array<i32>} : memref<384xi32, #tpu.memory_space<vmem>>, vector<16xi32>,
        %get3A_384 = arith.constant 288 : index
        %get3A_385 = tpu.vector_load %arg7[%get3A_384] {strides = array<i32>} : memref<384xi32, #tpu.memory_space<vmem>>, vector<16xi32>,
        %add3A_386 = arith.constant 4808 : i32
        %add3A_387 = vector.broadcast %add3A_386 : i32 to vector<16xi32>
        %add3A_388 = arith.addi %get3A_385, %add3A_387 : vector<16xi32>
        tpu.vector_store_idx %arg8[%add3A_382], %get3A_383 : memref<192xi32, #tpu.memory_space<vmem>>[vector<16xi32>], vector<16xi32>,
        %add3A_389 = arith.constant 1 : i32
        %add3A_390 = vector.broadcast %add3A_389 : i32 to vector<16xi32>
        %add3A_391 = arith.addi %add3A_382, %add3A_390 : vector<16xi32>
        tpu.vector_store_idx %arg8[%add3A_391], %add3A_388 : memref<192xi32, #tpu.memory_space<vmem>>[vector<16xi32>], vector<16xi32>,
        %add3A_392 = arith.constant 32 : i32
        %add3A_393 = vector.broadcast %add3A_392 : i32 to vector<16xi32>
        %add3A_394 = arith.addi %mul3A_282, %add3A_393 : vector<16xi32>
        %get3A_395 = arith.constant 208 : index
        %get3A_396 = tpu.vector_load %arg7[%get3A_395] {strides = array<i32>} : memref<384xi32, #tpu.memory_space<vmem>>, vector<16xi32>,
        %get3A_397 = arith.constant 304 : index
        %get3A_398 = tpu.vector_load %arg7[%get3A_397] {strides = array<i32>} : memref<384xi32, #tpu.memory_space<vmem>>, vector<16xi32>,
        %add3A_399 = arith.constant 4808 : i32
        %add3A_400 = vector.broadcast %add3A_399 : i32 to vector<16xi32>
        %add3A_401 = arith.addi %get3A_398, %add3A_400 : vector<16xi32>
        tpu.vector_store_idx %arg8[%add3A_394], %get3A_396 : memref<192xi32, #tpu.memory_space<vmem>>[vector<16xi32>], vector<16xi32>,
        %add3A_402 = arith.constant 1 : i32
        %add3A_403 = vector.broadcast %add3A_402 : i32 to vector<16xi32>
        %add3A_404 = arith.addi %add3A_394, %add3A_403 : vector<16xi32>
        tpu.vector_store_idx %arg8[%add3A_404], %add3A_401 : memref<192xi32, #tpu.memory_space<vmem>>[vector<16xi32>], vector<16xi32>,
        %add3A_405 = arith.constant 64 : i32
        %add3A_406 = vector.broadcast %add3A_405 : i32 to vector<16xi32>
        %add3A_407 = arith.addi %mul3A_282, %add3A_406 : vector<16xi32>
        %get3A_408 = arith.constant 224 : index
        %get3A_409 = tpu.vector_load %arg7[%get3A_408] {strides = array<i32>} : memref<384xi32, #tpu.memory_space<vmem>>, vector<16xi32>,
        %get3A_410 = arith.constant 320 : index
        %get3A_411 = tpu.vector_load %arg7[%get3A_410] {strides = array<i32>} : memref<384xi32, #tpu.memory_space<vmem>>, vector<16xi32>,
        %add3A_412 = arith.constant 4808 : i32
        %add3A_413 = vector.broadcast %add3A_412 : i32 to vector<16xi32>
        %add3A_414 = arith.addi %get3A_411, %add3A_413 : vector<16xi32>
        tpu.vector_store_idx %arg8[%add3A_407], %get3A_409 : memref<192xi32, #tpu.memory_space<vmem>>[vector<16xi32>], vector<16xi32>,
        %add3A_415 = arith.constant 1 : i32
        %add3A_416 = vector.broadcast %add3A_415 : i32 to vector<16xi32>
        %add3A_417 = arith.addi %add3A_407, %add3A_416 : vector<16xi32>
        tpu.vector_store_idx %arg8[%add3A_417], %add3A_414 : memref<192xi32, #tpu.memory_space<vmem>>[vector<16xi32>], vector<16xi32>,
        %add3A_418 = arith.constant 96 : i32
        %add3A_419 = vector.broadcast %add3A_418 : i32 to vector<16xi32>
        %add3A_420 = arith.addi %mul3A_282, %add3A_419 : vector<16xi32>
        %get3A_421 = arith.constant 240 : index
        %get3A_422 = tpu.vector_load %arg7[%get3A_421] {strides = array<i32>} : memref<384xi32, #tpu.memory_space<vmem>>, vector<16xi32>,
        %get3A_423 = arith.constant 336 : index
        %get3A_424 = tpu.vector_load %arg7[%get3A_423] {strides = array<i32>} : memref<384xi32, #tpu.memory_space<vmem>>, vector<16xi32>,
        %add3A_425 = arith.constant 4808 : i32
        %add3A_426 = vector.broadcast %add3A_425 : i32 to vector<16xi32>
        %add3A_427 = arith.addi %get3A_424, %add3A_426 : vector<16xi32>
        tpu.vector_store_idx %arg8[%add3A_420], %get3A_422 : memref<192xi32, #tpu.memory_space<vmem>>[vector<16xi32>], vector<16xi32>,
        %add3A_428 = arith.constant 1 : i32
        %add3A_429 = vector.broadcast %add3A_428 : i32 to vector<16xi32>
        %add3A_430 = arith.addi %add3A_420, %add3A_429 : vector<16xi32>
        tpu.vector_store_idx %arg8[%add3A_430], %add3A_427 : memref<192xi32, #tpu.memory_space<vmem>>[vector<16xi32>], vector<16xi32>,
        %add3A_431 = arith.constant 128 : i32
        %add3A_432 = vector.broadcast %add3A_431 : i32 to vector<16xi32>
        %add3A_433 = arith.addi %mul3A_282, %add3A_432 : vector<16xi32>
        %get3A_434 = arith.constant 256 : index
        %get3A_435 = tpu.vector_load %arg7[%get3A_434] {strides = array<i32>} : memref<384xi32, #tpu.memory_space<vmem>>, vector<16xi32>,
        %get3A_436 = arith.constant 352 : index
        %get3A_437 = tpu.vector_load %arg7[%get3A_436] {strides = array<i32>} : memref<384xi32, #tpu.memory_space<vmem>>, vector<16xi32>,
        %add3A_438 = arith.constant 4808 : i32
        %add3A_439 = vector.broadcast %add3A_438 : i32 to vector<16xi32>
        %add3A_440 = arith.addi %get3A_437, %add3A_439 : vector<16xi32>
        tpu.vector_store_idx %arg8[%add3A_433], %get3A_435 : memref<192xi32, #tpu.memory_space<vmem>>[vector<16xi32>], vector<16xi32>,
        %add3A_441 = arith.constant 1 : i32
        %add3A_442 = vector.broadcast %add3A_441 : i32 to vector<16xi32>
        %add3A_443 = arith.addi %add3A_433, %add3A_442 : vector<16xi32>
        tpu.vector_store_idx %arg8[%add3A_443], %add3A_440 : memref<192xi32, #tpu.memory_space<vmem>>[vector<16xi32>], vector<16xi32>,
        %add3A_444 = arith.constant 160 : i32
        %add3A_445 = vector.broadcast %add3A_444 : i32 to vector<16xi32>
        %add3A_446 = arith.addi %mul3A_282, %add3A_445 : vector<16xi32>
        %get3A_447 = arith.constant 272 : index
        %get3A_448 = tpu.vector_load %arg7[%get3A_447] {strides = array<i32>} : memref<384xi32, #tpu.memory_space<vmem>>, vector<16xi32>,
        %get3A_449 = arith.constant 368 : index
        %get3A_450 = tpu.vector_load %arg7[%get3A_449] {strides = array<i32>} : memref<384xi32, #tpu.memory_space<vmem>>, vector<16xi32>,
        %add3A_451 = arith.constant 4808 : i32
        %add3A_452 = vector.broadcast %add3A_451 : i32 to vector<16xi32>
        %add3A_453 = arith.addi %get3A_450, %add3A_452 : vector<16xi32>
        tpu.vector_store_idx %arg8[%add3A_446], %get3A_448 : memref<192xi32, #tpu.memory_space<vmem>>[vector<16xi32>], vector<16xi32>,
        %add3A_454 = arith.constant 1 : i32
        %add3A_455 = vector.broadcast %add3A_454 : i32 to vector<16xi32>
        %add3A_456 = arith.addi %add3A_446, %add3A_455 : vector<16xi32>
        tpu.vector_store_idx %arg8[%add3A_456], %add3A_453 : memref<192xi32, #tpu.memory_space<vmem>>[vector<16xi32>], vector<16xi32>,
        %dma_start3A_457 = arith.constant 192 : i32
        %dma_start3A_458 = arith.constant 0 : i32
        %dma_start3A_459 = tpu.memref_slice %arg9[%dma_start3A_457, %dma_start3A_458] : memref<384x128xf32, #tpu.memory_space<vmem>> -> memref<128x128xf32, #tpu.memory_space<vmem>>
        %dma_start3A_460 = arith.constant 0 : i32
        %dma_start3A_461 = tpu.memref_slice %arg8[%dma_start3A_460] : memref<192xi32, #tpu.memory_space<vmem>> -> memref<128xi32, #tpu.memory_space<vmem>>
        %dma_start3A_462 = arith.constant 0 : i32
        %dma_start3A_463 = arith.constant 0 : i32
        %dma_start3A_464 = tpu.memref_slice %arg5[%dma_start3A_462, %dma_start3A_463] : memref<9616x128xf32, #tpu.memory_space<vmem_shared>> -> memref<9616x128xf32, #tpu.memory_space<vmem_shared>>
        tpu.enqueue_indirect_dma source(%dma_start3A_464 : memref<9616x128xf32, #tpu.memory_space<vmem_shared>>) target(%dma_start3A_459 : memref<128x128xf32, #tpu.memory_space<vmem>>) offsets(%dma_start3A_461 : memref<128xi32, #tpu.memory_space<vmem>>) semaphore(%arg10 : memref<!tpu.dma_semaphore, #tpu.memory_space<semaphore_mem>>)
        %dma_start3A_465 = arith.constant 320 : i32
        %dma_start3A_466 = arith.constant 0 : i32
        %dma_start3A_467 = tpu.memref_slice %arg9[%dma_start3A_465, %dma_start3A_466] : memref<384x128xf32, #tpu.memory_space<vmem>> -> memref<64x128xf32, #tpu.memory_space<vmem>>
        %dma_start3A_468 = arith.constant 128 : i32
        %dma_start3A_469 = tpu.memref_slice %arg8[%dma_start3A_468] : memref<192xi32, #tpu.memory_space<vmem>> -> memref<64xi32, #tpu.memory_space<vmem>>
        %dma_start3A_470 = arith.constant 0 : i32
        %dma_start3A_471 = arith.constant 0 : i32
        %dma_start3A_472 = tpu.memref_slice %arg5[%dma_start3A_470, %dma_start3A_471] : memref<9616x128xf32, #tpu.memory_space<vmem_shared>> -> memref<9616x128xf32, #tpu.memory_space<vmem_shared>>
        tpu.enqueue_indirect_dma source(%dma_start3A_472 : memref<9616x128xf32, #tpu.memory_space<vmem_shared>>) target(%dma_start3A_467 : memref<64x128xf32, #tpu.memory_space<vmem>>) offsets(%dma_start3A_469 : memref<64xi32, #tpu.memory_space<vmem>>) semaphore(%arg10 : memref<!tpu.dma_semaphore, #tpu.memory_space<semaphore_mem>>)
        %dma_wait3A_473 = arith.constant 192 : i32
        %dma_wait3A_474 = arith.constant 0 : i32
        %dma_wait3A_475 = tpu.memref_slice %arg9[%dma_wait3A_473, %dma_wait3A_474] : memref<384x128xf32, #tpu.memory_space<vmem>> -> memref<128x128xf32, #tpu.memory_space<vmem>>
        %dma_wait3A_476 = arith.constant 0 : i32
        %dma_wait3A_477 = tpu.memref_slice %arg8[%dma_wait3A_476] : memref<192xi32, #tpu.memory_space<vmem>> -> memref<128xi32, #tpu.memory_space<vmem>>
        %dma_wait3A_478 = arith.constant 0 : i32
        %dma_wait3A_479 = arith.constant 0 : i32
        %dma_wait3A_480 = tpu.memref_slice %arg5[%dma_wait3A_478, %dma_wait3A_479] : memref<9616x128xf32, #tpu.memory_space<vmem_shared>> -> memref<9616x128xf32, #tpu.memory_space<vmem_shared>>
        tpu.wait_indirect_dma semaphore(%arg10 : memref<!tpu.dma_semaphore, #tpu.memory_space<semaphore_mem>>) src(%dma_wait3A_480 : memref<9616x128xf32, #tpu.memory_space<vmem_shared>>) dst(%dma_wait3A_475 : memref<128x128xf32, #tpu.memory_space<vmem>>)
        %dma_wait3A_481 = arith.constant 320 : i32
        %dma_wait3A_482 = arith.constant 0 : i32
        %dma_wait3A_483 = tpu.memref_slice %arg9[%dma_wait3A_481, %dma_wait3A_482] : memref<384x128xf32, #tpu.memory_space<vmem>> -> memref<64x128xf32, #tpu.memory_space<vmem>>
        %dma_wait3A_484 = arith.constant 128 : i32
        %dma_wait3A_485 = tpu.memref_slice %arg8[%dma_wait3A_484] : memref<192xi32, #tpu.memory_space<vmem>> -> memref<64xi32, #tpu.memory_space<vmem>>
        %dma_wait3A_486 = arith.constant 0 : i32
        %dma_wait3A_487 = arith.constant 0 : i32
        %dma_wait3A_488 = tpu.memref_slice %arg5[%dma_wait3A_486, %dma_wait3A_487] : memref<9616x128xf32, #tpu.memory_space<vmem_shared>> -> memref<9616x128xf32, #tpu.memory_space<vmem_shared>>
        tpu.wait_indirect_dma semaphore(%arg10 : memref<!tpu.dma_semaphore, #tpu.memory_space<semaphore_mem>>) src(%dma_wait3A_488 : memref<9616x128xf32, #tpu.memory_space<vmem_shared>>) dst(%dma_wait3A_483 : memref<64x128xf32, #tpu.memory_space<vmem>>)
        %mul3A_489 = arith.constant 2 : i32
        %mul3A_490 = arith.muli %mul3A_351, %mul3A_489 : i32
        %dma_start3A_491 = arith.constant 192 : i32
        %dma_start3A_492 = arith.constant 0 : i32
        %dma_start3A_493 = tpu.memref_slice %arg9[%dma_start3A_491, %dma_start3A_492] : memref<384x128xf32, #tpu.memory_space<vmem>> -> memref<192x128xf32, #tpu.memory_space<vmem>>
        %dma_start3A_494 = arith.constant 0 : i32
        %dma_start3A_495 = tpu.memref_slice %arg4[%mul3A_490, %dma_start3A_494] : memref<259200x128xf32, #tpu.memory_space<hbm>> -> memref<192x128xf32, #tpu.memory_space<hbm>>
        %dma_start3A_496 = arith.constant 0 : i32
        %dma_start3A_497 = tpu.memref_slice %arg4[%mul3A_490, %dma_start3A_496] : memref<259200x128xf32, #tpu.memory_space<hbm>> -> memref<192x128xf32, #tpu.memory_space<hbm>>
        %dma_start3A_498 = arith.constant 192 : i32
        %dma_start3A_499 = arith.constant 0 : i32
        %dma_start3A_500 = tpu.memref_slice %arg9[%dma_start3A_498, %dma_start3A_499] : memref<384x128xf32, #tpu.memory_space<vmem>> -> memref<192x128xf32, #tpu.memory_space<vmem>>
        tpu.enqueue_dma source(%dma_start3A_500 : memref<192x128xf32, #tpu.memory_space<vmem>>) target(%dma_start3A_497 : memref<192x128xf32, #tpu.memory_space<hbm>>) target_semaphore(%arg14 : memref<!tpu.dma_semaphore, #tpu.memory_space<semaphore_mem>>)
      } else {
      }
    }
    %scan3A_301 = arith.constant 22 : i32
    %dma_wait3A = arith.constant 0 : i32
    %dma_wait3A_302 = arith.constant 0 : i32
    %dma_wait3A_303 = tpu.memref_slice %arg9[%dma_wait3A, %dma_wait3A_302] : memref<384x128xf32, #tpu.memory_space<vmem>> -> memref<192x128xf32, #tpu.memory_space<vmem>>
    %dma_wait3A_304 = arith.constant 0 : i32
    %dma_wait3A_305 = arith.constant 0 : i32
    %dma_wait3A_306 = tpu.memref_slice %arg4[%dma_wait3A_304, %dma_wait3A_305] : memref<259200x128xf32, #tpu.memory_space<hbm>> -> memref<192x128xf32, #tpu.memory_space<hbm>>
    %dma_wait3A_307 = arith.constant 0 : i32
    %dma_wait3A_308 = arith.constant 0 : i32
    %dma_wait3A_309 = tpu.memref_slice %arg4[%dma_wait3A_307, %dma_wait3A_308] : memref<259200x128xf32, #tpu.memory_space<hbm>> -> memref<192x128xf32, #tpu.memory_space<hbm>>
    %dma_wait3A_310 = arith.constant 0 : i32
    %dma_wait3A_311 = arith.constant 0 : i32
    %dma_wait3A_312 = tpu.memref_slice %arg9[%dma_wait3A_310, %dma_wait3A_311] : memref<384x128xf32, #tpu.memory_space<vmem>> -> memref<192x128xf32, #tpu.memory_space<vmem>>
    tpu.wait_dma2 semaphore(%arg13 : memref<!tpu.dma_semaphore, #tpu.memory_space<semaphore_mem>>) src(%dma_wait3A_312 : memref<192x128xf32, #tpu.memory_space<vmem>>) dst(%dma_wait3A_309 : memref<192x128xf32, #tpu.memory_space<hbm>>)
    %dma_wait3A_313 = arith.constant 192 : i32
    %dma_wait3A_314 = arith.constant 0 : i32
    %dma_wait3A_315 = tpu.memref_slice %arg9[%dma_wait3A_313, %dma_wait3A_314] : memref<384x128xf32, #tpu.memory_space<vmem>> -> memref<192x128xf32, #tpu.memory_space<vmem>>
    %dma_wait3A_316 = arith.constant 0 : i32
    %dma_wait3A_317 = arith.constant 0 : i32
    %dma_wait3A_318 = tpu.memref_slice %arg4[%dma_wait3A_316, %dma_wait3A_317] : memref<259200x128xf32, #tpu.memory_space<hbm>> -> memref<192x128xf32, #tpu.memory_space<hbm>>
    %dma_wait3A_319 = arith.constant 0 : i32
    %dma_wait3A_320 = arith.constant 0 : i32
    %dma_wait3A_321 = tpu.memref_slice %arg4[%dma_wait3A_319, %dma_wait3A_320] : memref<259200x128xf32, #tpu.memory_space<hbm>> -> memref<192x128xf32, #tpu.memory_space<hbm>>
    %dma_wait3A_322 = arith.constant 192 : i32
    %dma_wait3A_323 = arith.constant 0 : i32
    %dma_wait3A_324 = tpu.memref_slice %arg9[%dma_wait3A_322, %dma_wait3A_323] : memref<384x128xf32, #tpu.memory_space<vmem>> -> memref<192x128xf32, #tpu.memory_space<vmem>>
    tpu.wait_dma2 semaphore(%arg14 : memref<!tpu.dma_semaphore, #tpu.memory_space<semaphore_mem>>) src(%dma_wait3A_324 : memref<192x128xf32, #tpu.memory_space<vmem>>) dst(%dma_wait3A_321 : memref<192x128xf32, #tpu.memory_space<hbm>>)
    return
  }
}

</mosaic_0001>

<sc_bundles>
// kernel: kernel.3.cloned.1.call-start
scs
__scs_entry_jumppad:
0x0: {  	(pc) =	sbr.rel $0x88, $3  }
0x1: {  	(tag) =	ssettag $0x0;
	lr =	simm.s32 $0x1  }
0x2: {  	[smem:$0x3F9F] =	sst lr;
	_ =	strace $0xD0000000  }
0x3: {  	_ = 	snop  }
0x4: {  	_ = 	snop  }
0x5: {  	_ = 	snop  }
0x6: {  	_ = 	snop  }
0x7: {  	_ = 	snop  }
__scs_overlays_trampoline_lowered:
0x8: {  	[smem:$0x3FAE] =	sst s0  }
0x9: {  	[smem:$0x3FAF] =	sst s1  }
0xa: {  	[smem:$0x3FB0] =	sst s2  }
0xb: {  	[smem:$0x3FB1] =	sst s3  }
0xc: {  	[smem:$0x3FB2] =	sst s4  }
0xd: {  	[smem:$0x3FB3] =	sst s5  }
0xe: {  	[smem:$0x3FB4] =	sst s6  }
0xf: {  	[smem:$0x3FB5] =	sst s7  }
0x10: {  	[smem:$0x3FB6] =	sst s8  }
0x11: {  	[smem:$0x3FB7] =	sst s9;
	s0 =	simm.s32 @!p0 $0x0  }
0x12: {  	s1 =	sld [smem:$0x3F9D];
	s0 =	simm.s32 @p0 $0x1  }
0x13: {  	[smem:$0x3FB8] =	sst s0;
	s0 =	simm.s32 @!p1 $0x0  }
0x14: {  	s2 =	sld [smem:$0x3F9C];
	s0 =	simm.s32 @p1 $0x1  }
0x15: {  	[smem:$0x3FB9] =	sst s0;
	s0 =	simm.s32 @!p2 $0x0  }
0x16: {  	s3 =	sld [smem:$0x3FDB];
	s0 =	simm.s32 @p2 $0x1  }
0x17: {  	s4 =	simm.s32 $0x1BF5;
	[smem:$0x3FBB] =	sst s0  }
0x18: {  	s0 =	sld [smem:$0x3F9E];
	_ =	swait.ge [sflag:s4], $0x0  }
0x19: {  	s7 =	sld [smem:$0x3F9F]  }
0x1a: {  	s8 =	sadd.s32 $0xFFFFE003, lr  }
0x1b: {  	s9 =	sadd.s32 $0xFFFFFEF7, lr;
	s5 =	simm.s32 $0xFFFFFFFF;
	p2 =	slt.u32 s8, $0xFFFFF086  }
0x1c: {  	p1 =	slt.u32 s9, $0xF7A;
	s5 =	simm.s32 @!p2 $0x0  }
0x1d: {  	s5 =	simm.s32 @p1 $0x1;
	p0 =	seq.s32 s7, s2  }
0x1e: {  	s7 =	smul.u32 @!p0 $0xF7A, s2;
	p2 =	seq.s32 @!p0 s5, $0x0  }
0x1f: {  	s9 =	smul.u32 $0xF7A, s1;
	s8 =	simm.s32 @!p0 $0x1BF5;
	p2 =	por !p2, p0  }
0x20: {  	[sflag:s8] =	ssyncset.s32 @!p0 $0xFFFFF086;
	s6 =	sadd.s32 @!p0 s3, s7;
	s7 =	simm.s32 @!p0 $0x108  }
0x21: {  	s3 =	sadd.s32 s3, s9;
	s6 =	sadd.s32 @!p0 $0x88, s6;
	s7 =	simm.s32 @p2 $0x1082  }
0x22: {  	[simem:s7], [sflag:s8] =	dma.local @!p0 [hbm:s6], $0xF7A  }
0x23: {  	s9 =	sor.u32 $0xD0000000, s2;
	s6 =	simm.s32 $0x108;
	_ =	swait.ge @!p0 [sflag:s8], $0x0  }
0x24: {  	s3 =	sadd.s32 $0x88, s3;
	s6 =	simm.s32 @!p1 $0x1082;
	[sflag:s4] =	ssyncset.s32 $0xFFFFF086  }
0x25: {  	[simem:s6], [sflag:s4] =	dma.local [hbm:s3], $0xF7A  }
0x26: {  	[smem:$0x3F9F] =	sst s1;
	(tag) =	ssettag s2;
	_ =	strace s9  }
0x27: {  	s1 =	sld [smem:$0x3FAF]  }
0x28: {  	s2 =	sld [smem:$0x3FB0]  }
0x29: {  	s4 =	sld [smem:$0x3FB2]  }
0x2a: {  	p0 =	seq.s32 s5, $0x0;
	s5 =	sld [smem:$0x3FB3]  }
0x2b: {  	s6 =	sld [smem:$0x3FB4]  }
0x2c: {  	s7 =	sld [smem:$0x3FB5]  }
0x2d: {  	s3 =	simm.s32 $0x108;
	s8 =	sld [smem:$0x3FB6]  }
0x2e: {  	s3 =	simm.s32 @!p0 $0x1082;
	s9 =	sld [smem:$0x3FB7]  }
0x2f: {  	lr =	sadd.s32 s0, s3;
	s0 =	sld [smem:$0x3FAE]  }
0x30: {  	s3 =	sld [smem:$0x3FB1]  }
0x31: {  	[smem:$0x3FBA] =	sst s10  }
0x32: {  	s10 =	sld [smem:$0x3FB8];
	_ =	sdelay $0x3  }
0x33: {  	p0 =	seq.s32 s10, $0x1;
	s10 =	sld [smem:$0x3FBA];
	_ =	sdelay $0x3  }
0x34: {  	[smem:$0x3FBA] =	sst s10  }
0x35: {  	s10 =	sld [smem:$0x3FB9];
	_ =	sdelay $0x3  }
0x36: {  	p1 =	seq.s32 s10, $0x1;
	s10 =	sld [smem:$0x3FBA];
	_ =	sdelay $0x3  }
0x37: {  	[smem:$0x3FBA] =	sst s10  }
0x38: {  	s10 =	sld [smem:$0x3FBB]  }
0x39: {  	_ = 	snop;
	(pc) =	sbr.ind lr, $3  }
0x3a: {  	_ = 	snop  }
0x3b: {  	_ = 	snop  }
0x3c: {  	p2 =	seq.s32 s10, $0x1;
	s10 =	sld [smem:$0x3FBA]  }
0x3d: {  	_ =	shalt  }
0x3e: {  	_ =	shalt  }
0x3f: {  	_ =	shalt  }
0x40: {  	_ =	shalt  }
0x41: {  	_ =	shalt  }
0x42: {  	_ =	shalt  }
0x43: {  	_ =	shalt  }
0x44: {  	_ =	shalt  }
0x45: {  	_ =	shalt  }
0x46: {  	_ =	shalt  }
0x47: {  	_ =	shalt  }
0x48: {  	_ =	shalt  }
0x49: {  	_ =	shalt  }
0x4a: {  	_ =	shalt  }
0x4b: {  	_ =	shalt  }
0x4c: {  	_ =	shalt  }
0x4d: {  	_ =	shalt  }
0x4e: {  	_ =	shalt  }
0x4f: {  	_ =	shalt  }
0x50: {  	_ =	shalt  }
0x51: {  	_ =	shalt  }
0x52: {  	_ =	shalt  }
0x53: {  	_ =	shalt  }
0x54: {  	_ =	shalt  }
0x55: {  	_ =	shalt  }
0x56: {  	_ =	shalt  }
0x57: {  	_ =	shalt  }
0x58: {  	_ =	shalt  }
0x59: {  	_ =	shalt  }
0x5a: {  	_ =	shalt  }
0x5b: {  	_ =	shalt  }
0x5c: {  	_ =	shalt  }
0x5d: {  	_ =	shalt  }
0x5e: {  	_ =	shalt  }
0x5f: {  	_ =	shalt  }
0x60: {  	_ =	shalt  }
0x61: {  	_ =	shalt  }
0x62: {  	_ =	shalt  }
0x63: {  	_ =	shalt  }
0x64: {  	_ =	shalt  }
0x65: {  	_ =	shalt  }
0x66: {  	_ =	shalt  }
0x67: {  	_ =	shalt  }
0x68: {  	_ =	shalt  }
0x69: {  	_ =	shalt  }
0x6a: {  	_ =	shalt  }
0x6b: {  	_ =	shalt  }
0x6c: {  	_ =	shalt  }
0x6d: {  	_ =	shalt  }
0x6e: {  	_ =	shalt  }
0x6f: {  	_ =	shalt  }
0x70: {  	_ =	shalt  }
0x71: {  	_ =	shalt  }
0x72: {  	_ =	shalt  }
0x73: {  	_ =	shalt  }
0x74: {  	_ =	shalt  }
0x75: {  	_ =	shalt  }
0x76: {  	_ =	shalt  }
0x77: {  	_ =	shalt  }
0x78: {  	_ =	shalt  }
0x79: {  	_ =	shalt  }
0x7a: {  	_ =	shalt  }
0x7b: {  	_ =	shalt  }
0x7c: {  	_ =	shalt  }
0x7d: {  	_ =	shalt  }
0x7e: {  	_ =	shalt  }
0x7f: {  	_ =	shalt  }
0x80: {  	_ =	shalt  }
0x81: {  	_ =	shalt  }
0x82: {  	_ =	shalt  }
0x83: {  	_ =	shalt  }
0x84: {  	_ =	shalt  }
0x85: {  	_ =	shalt  }
0x86: {  	_ =	shalt  }
0x87: {  	_ =	shalt  }
.Lfunc_end0:
.L_simem_size_0:
called_computation_lowered:
.L_overlay_start_0:
0x88: {  	s2 =	sld [smem:$0x3FD9]  }
0x89: {  	s3 =	sld [smem:$0x3FFE];
	_ =	sdelay $0x1  }
0x8a: {  	s1 =	srdreg.scid  }
0x8b: {  	s0 =	sand.u32 $0x1, s1  }
0x8c: {  	s17 =	sshll.u32 s0, $0xA;
	s2 =	sadd.s32 s3, s2  }
0x8d: {  	s2 =	sadd.s32 s2, s17  }
0x8e: {  	[smem:$0x3FC6] =	sst s2  }
0x8f: {  	_ = 	snop  }
0x90: {  	s2 =	sld [smem:$0x3FC9]  }
0x91: {  	s18 =	sld [smem:$0x3FD0];
	(tm) =	ssettm $0x1  }
0x92: {  	s4 =	sld [smem:$0x3FFB];
	_ =	sdelay $0x3  }
0x93: {  	_ =	strace s4  }
0x94: {  	s4 =	sld [smem:$0x3FFC];
	_ =	sdelay $0x3  }
0x95: {  	_ =	strace s4  }
0x96: {  	s4 =	sld [smem:$0x3FFD];
	_ =	sdelay $0x3  }
0x97: {  	_ =	strace s4  }
0x98: {  	_ =	strace $0x8FFFFFFF  }
0x99: {  	s19 =	sld [smem:$0x3FDB];
	_ =	sdelay $0x1  }
0x9a: {  	s5 =	simm.s32 $_scs_section_size  }
0x9b: {  	s6 =	simm.s32 $_size__tile_overlayer_lowered;
	s7 =	simm.s32 $_tile_overlayer_lowered  }
0x9c: {  	s22 =	simm.s32 $0x1BFF;
	s21 =	sshll.u32 s7, $0x1;
	s4 =	sadd.s32 s5, s19  }
0x9d: {  	s8 =	simm.s32 $0x0;
	s20 =	sshll.u32 s6, $0x1;
	s6 =	sadd.s32 s21, s4  }
0x9e: {  	[timem:s8], [sflag:s22] =	dma.local [hbm:s6], s20  }
0x9f: {  	_ =	swait.ge [sflag:s22], s20  }
0xa0: {  	s5 =	ssub.s32 $0x0, s20;
	[sflag:s22] =	ssyncset.done $0x0  }
0xa1: {  	[sflag:s22] =	ssyncadd.s32 s5;
	_ =	sdelay $0x1  }
0xa2: {  	s23 =	simm.s32 $0x1B8B  }
0xa3: {  	_ =	swait.ge [sflag:s23], $0x1  }
0xa4: {  	[sflag:s23] =	ssyncset.done $0x0  }
0xa5: {  	s25 =	simm.s32 $0x1B8E;
	s24 =	sld [smem:$0x3FFE];
	[sflag:s23] =	ssyncadd.s32 $0xFFFFFFFF  }
0xa6: {  	s26 =	simm.s32 $execute0_lowered;
	[smem:$0x3FD2] =	sst s25  }
0xa7: {  	s6 =	sshll.u32 s26, $0x1;
	_ =	strace $0x80000046;
	[dreg:$0x1] =	wrdreg $0xFFFFFFFF  }
0xa8: {  	s28 =	simm.s32 $_size_execute0_lowered;
	s4 =	sadd.s32 s4, s6;
	[dreg:$0x0] =	wrdreg $0x0  }
0xa9: {  	s6 =	sshll.u32 s28, $0x1;
	[dreg:$0x2] =	wrdreg s4  }
0xaa: {  	[dreg:$0x3] =	wrdreg s6  }
0xab: {  	[dreg:$0x4] =	wrdreg $0xC0  }
0xac: {  	_ =	task [dreg:s8], $0x5FFFF  }
0xad: {  	[dreg:$0x1] =	wrdreg $0xFFFFFFFF  }
0xae: {  	[dreg:$0x0] =	wrdreg $0x60  }
0xaf: {  	[dreg:$0x2] =	wrdreg s2  }
0xb0: {  	[dreg:$0x3] =	wrdreg s24  }
0xb1: {  	[dreg:$0x4] =	wrdreg s18  }
0xb2: {  	[dreg:$0x5] =	wrdreg $0x0  }
0xb3: {  	[dreg:$0x6] =	wrdreg $0x9  }
0xb4: {  	_ =	task.clear_ibuf [dreg:s8], $0x7FFFF;
	_ =	strace $0x90000046  }
0xb5: {  	s29 =	simm.s32 $0x9;
	_ =	strace $0x80000048  }
0xb6: {  	_ =	swait.ge [sflag:s29], $0x1  }
0xb7: {  	[sflag:s29] =	ssyncadd.s32 $0xFFFFFFFF  }
0xb8: {  	_ =	strace $0x90000048  }
0xb9: {  	_ =	sfence  }
0xba: {  	s30 =	sld [smem:$0x0];
	_ =	sdelay $0x2  }
0xbb: {  	s31 =	sshll.u32 s1, $0xD;
	s1 =	sshrl.u32 s1, $0x2  }
0xbc: {  	s3 =	sand.u32 $0x4000, s31;
	s1 =	sadd.s32 s1, s30  }
0xbd: {  	s0 =	sor.u32 s3, s0;
	s1 =	sshll.u32 s1, $0x11  }
0xbe: {  	s0 =	sor.u32 s1, s0  }
0xbf: {  	s0 =	sadd.s32 $0x8F2B, s0  }
0xc0: {  	[sflag:s0] =	ssyncadd.remote.s32 $0x1  }
0xc1: {  	_ =	sfence.sel $0xFFFF  }
0xc2: {  	[dreg:$0x0] =	wrdreg $0xFFFFFFFF;
	(pc) =	sbr.abs _section_cstart, $3  }
0xc3: {  	[dreg:$0x1] =	wrdreg $0xFFFFFFFF  }
0xc4: {  	_ =	task.clear_ibuf [dreg:s8], $0x2FFFF;
	_ =	strace $0x9FFFFFFF  }
0xc5: {  	(tm) =	ssettm $0x7FFFFFFF  }
tec
execute0_lowered:
.L_overlay_start_1:
0x0: {  	(tag) =	ssettag $0x1  }
0x1: {  	s0 =	rddreg [dreg:$0x0]  }
0x2: {  	s1 =	rddreg [dreg:$0x1]  }
0x3: {  	s5 =	rddreg [dreg:$0x2]  }
0x4: {  	s2 =	rddreg [dreg:$0x3]  }
0x5: {  	s3 =	srdreg.scid;
	s13 =	stileid.u32;
	s28 =	simm.s32 $0x13200  }
0x6: {  	s29 =	simm.s32 $0x80;
	s30 =	simm.s32 $0x19300;
	s22 =	smul.u32 $0x12C00, s13  }
0x7: {  	s31 =	simm.s32 $0x40;
	s8 =	sand.u32 $0x7, s13;
	s25 =	smul.u32 $0x1800, s13  }
0x8: {  	s7 =	sand.u32 $0x1, s3;
	s3 =	simm.s32 $0x0;
	s10 =	smul.u32 $0x258, s8  }
0x9: {  	s4 =	sadd.s32 $0x400, s1;
	s16 =	sshll.u32 s13, $0x1;
	s18 =	smul.u32 $0x12C00, s8  }
0xa: {  	p0 =	slt.u32 s13, $0x8;
	s6 =	ssub.s32 $0x2, s7;
	s12 =	smul.u32 $0x4B000, s8  }
0xb: {  	[smem:$0x7FF] =	sst s3;
	s15 =	sor.u32 s7, s16;
	s8 =	smul.u32 $0x2580, s8  }
0xc: {  	s26 =	smul.u32 $0xC00, s7;
	p1 =	sne.s32 @p0 s13, $0x0;
	s9 =	sshrl.u32 s6, $0x1  }
0xd: {  	_ =	strace $0x80000047;
	s23 =	smul.u32 $0x60, s15;
	s24 =	sshrl.u32 s22, $0x3  }
0xe: {  	s22 =	sadd.s32 $0x12C400, s2;
	s5 =	sadd.s32 s25, s5;
	s25 =	smul.u32 $0x18, s13  }
0xf: {  	p1 =	por p1, !p0;
	s1 =	ssub.s32 s6, s9;
	s17 =	sadd.s32 $0x130, s10  }
0x10: {  	s20 =	sshrl.u32 s12, $0x2;
	s21 =	sshrl.u32 s18, $0x3;
	s8 =	sadd.s32 s0, s8  }
0x11: {  	[dreg:$0xc] =	wrdreg s22;
	s10 =	sor.u32 $0x20, s15;
	s11 =	sshll.u32 s17, $0x4  }
0x12: {  	s9 =	sshll.u32 s17, $0x7;
	s6 =	sadd.s32 s20, s2;
	[dreg:$0x8] =	wrdreg s8  }
0x13: {  	s14 =	sshrl.u32 s23, $0x3;
	s17 =	smul.u32 $0xC0, s13;
	s1 =	smax.u32 s1, $0x1  }
0x14: {  	s23 =	sadd.s32 s26, s5;
	s26 =	sadd.s32 s25, s4;
	s25 =	simm.s32 $0x1  }
0x15: {  	s8 =	simm.s32 $0x0;
	s16 =	sadd.s32 s9, s2;
	s19 =	sadd.s32 s0, s11  }
0x16: {  	s9 =	sadd.s32 s0, s21;
	s12 =	sadd.s32 $0x9FC00, s6;
	[dreg:$0x6] =	wrdreg s6  }
0x17: {  	s18 =	sadd.s32 $0x96400, s6;
	s0 =	sadd.s32 s0, s24;
	[dreg:$0xe] =	wrdreg s1  }
0x18: {  	s20 =	sadd.s32 s4, s14;
	s21 =	smul.u32 $0x60, s7;
	[dreg:$0x5] =	wrdreg s19  }
0x19: {  	s1 =	sadd.s32 $0x18000, s23;
	s9 =	sadd.s32 $0x13F00, s9;
	[dreg:$0xb] =	wrdreg s20  }
0x1a: {  	s7 =	smul.u32 $0xC, s7;
	s0 =	sadd.s32 $0x12C00, s0;
	[dreg:$0x7] =	wrdreg s9  }
0x1b: {  	s19 =	sadd.s32 $0x96000, s2;
	s6 =	sadd.s32 $0x3F48, s20;
	[dreg:$0x9] =	wrdreg s0  }
0x1c: {  	v0 =	vlaneseq.u32;
	s22 =	sshrl.u32 @!p0 s16, $0x3;
	[dreg:$0xa] =	wrdreg s19;
	s0 =	sadd.s32 s21, s17  }
0x1d: {  	v0 =	vmul.u32 $0x2, v0;
	s23 =	sshrl.u32 @!p0 s12, $0x3;
	[dreg:$0xd] =	wrdreg s6;
	s24 =	sadd.s32 $0x21240, s0  }
.Ltmp0:
0x1e: {  	s9 =	sadd.s32 $0x1800, s0;
	s0 =	sadd.s32 $0x20640, s0;
	(pc) =	sbr.rel .LBB2_1-.Ltmp0, $4  }
0x1f: {  	v1 =	vimm.f32 $0.0e+00;
	v2 =	vor.u32 $0x1, v0;
	v3 =	vor.u32 $0x20, v0;
	s21 =	sshrl.u32 @p0 s18, $0x3;
	s5 =	sshrl.u32 s24, $0x3;
	s0 =	sshrl.u32 s0, $0x3  }
0x20: {  	v4 =	vor.u32 $0x21, v0;
	v5 =	vor.u32 $0x40, v0;
	v6 =	vor.u32 $0x41, v0;
	s24 =	simm.s32 $0x1D300;
	s17 =	sadd.s32 s5, s4;
	s5 =	sadd.s32 s7, s26  }
0x21: {  	v7 =	vor.u32 $0x60, v0;
	v8 =	vor.u32 $0x61, v0;
	v9 =	vor.u32 $0x80, v0;
	s20 =	sadd.s32 s0, s4;
	s26 =	simm.s32 $0x3;
	s0 =	simm.s32 $0x13280  }
0x22: {  	v10 =	vor.u32 $0x81, v0;
	v11 =	vor.u32 $0xA0, v0;
	v12 =	vor.u32 $0xA1, v0;
	s7 =	simm.s32 $0x5;
	s19 =	sadd.s32 $0x180, s5;
	s5 =	simm.s32 $0x4  }
.LBB2_5:
0x23: {  	_ =	swait.ge [sflag:s5], $0x6000  }
0x24: {  	[sflag:s5] =	ssyncset.done $0x0  }
0x25: {  	[sflag:s5] =	ssyncadd.s32 $0xFFFFA000  }
0x26: {  	_ =	swait.ge [sflag:s7], $0x6000  }
0x27: {  	s8 =	sadd.s32 $0x1, s8;
	s6 =	rddreg [dreg:$0xe]  }
0x28: {  	p2 =	sne.s32 s8, s6  }
.Ltmp1:
0x29: {  	_ = 	snop;
	(pc) =	sbr.rel @!p2 .LBB2_6-.Ltmp1, $3  }
0x2a: {  	_ =	sdelay $0x1  }
0x2b: {  	[sflag:s7] =	ssyncset.done $0x0  }
0x2c: {  	[sflag:s7] =	ssyncadd.s32 $0xFFFFA000  }
.LBB2_1:
0x2d: {  	[tilespmem:$0x12C80] =	vst v1  }
0x2e: {  	[tilespmem:$0x12C90] =	vst v1  }
0x2f: {  	[tilespmem:$0x12CA0] =	vst v1  }
0x30: {  	[tilespmem:$0x12CB0] =	vst v1  }
0x31: {  	[tilespmem:$0x12CC0] =	vst v1  }
0x32: {  	[tilespmem:$0x12CD0] =	vst v1  }
0x33: {  	[tilespmem:$0x12CE0] =	vst v1  }
0x34: {  	[tilespmem:$0x12CF0] =	vst v1  }
0x35: {  	[tilespmem:$0x12D00] =	vst v1  }
0x36: {  	[tilespmem:$0x12D10] =	vst v1  }
0x37: {  	[tilespmem:$0x12D20] =	vst v1  }
0x38: {  	[tilespmem:$0x12D30] =	vst v1  }
0x39: {  	[tilespmem:$0x12D40] =	vst v1  }
0x3a: {  	[tilespmem:$0x12D50] =	vst v1  }
0x3b: {  	[tilespmem:$0x12D60] =	vst v1  }
0x3c: {  	[tilespmem:$0x12D70] =	vst v1  }
0x3d: {  	[tilespmem:$0x12D80] =	vst v1  }
0x3e: {  	[tilespmem:$0x12D90] =	vst v1  }
0x3f: {  	[tilespmem:$0x12DA0] =	vst v1  }
0x40: {  	[tilespmem:$0x12DB0] =	vst v1  }
0x41: {  	[tilespmem:$0x12DC0] =	vst v1  }
0x42: {  	[tilespmem:$0x12DD0] =	vst v1  }
0x43: {  	[tilespmem:$0x12DE0] =	vst v1  }
0x44: {  	[tilespmem:$0x12DF0] =	vst v1  }
0x45: {  	[tilespmem:$0x12E00] =	vst v1  }
0x46: {  	[tilespmem:$0x12E10] =	vst v1  }
0x47: {  	[tilespmem:$0x12E20] =	vst v1  }
0x48: {  	[tilespmem:$0x12E30] =	vst v1  }
0x49: {  	[tilespmem:$0x12E40] =	vst v1  }
0x4a: {  	[tilespmem:$0x12E50] =	vst v1  }
0x4b: {  	[tilespmem:$0x12E60] =	vst v1  }
0x4c: {  	[tilespmem:$0x12E70] =	vst v1  }
0x4d: {  	[tilespmem:$0x12E80] =	vst v1  }
0x4e: {  	[tilespmem:$0x12E90] =	vst v1  }
0x4f: {  	[tilespmem:$0x12EA0] =	vst v1  }
0x50: {  	[tilespmem:$0x12EB0] =	vst v1  }
0x51: {  	[tilespmem:$0x12EC0] =	vst v1  }
0x52: {  	[tilespmem:$0x12ED0] =	vst v1  }
0x53: {  	[tilespmem:$0x12EE0] =	vst v1  }
0x54: {  	[tilespmem:$0x12EF0] =	vst v1  }
0x55: {  	[tilespmem:$0x12F00] =	vst v1  }
0x56: {  	[tilespmem:$0x12F10] =	vst v1  }
0x57: {  	[tilespmem:$0x12F20] =	vst v1  }
0x58: {  	[tilespmem:$0x12F30] =	vst v1  }
0x59: {  	[tilespmem:$0x12F40] =	vst v1  }
0x5a: {  	[tilespmem:$0x12F50] =	vst v1  }
0x5b: {  	[tilespmem:$0x12F60] =	vst v1  }
0x5c: {  	[tilespmem:$0x12F70] =	vst v1  }
0x5d: {  	[tilespmem:$0x12F80] =	vst v1  }
0x5e: {  	[tilespmem:$0x12F90] =	vst v1  }
0x5f: {  	[tilespmem:$0x12FA0] =	vst v1  }
0x60: {  	[tilespmem:$0x12FB0] =	vst v1  }
0x61: {  	[tilespmem:$0x12FC0] =	vst v1  }
0x62: {  	[tilespmem:$0x12FD0] =	vst v1  }
0x63: {  	[tilespmem:$0x12FE0] =	vst v1  }
0x64: {  	[tilespmem:$0x12FF0] =	vst v1  }
0x65: {  	[tilespmem:$0x13000] =	vst v1  }
0x66: {  	[tilespmem:$0x13010] =	vst v1  }
0x67: {  	[tilespmem:$0x13020] =	vst v1  }
0x68: {  	[tilespmem:$0x13030] =	vst v1  }
0x69: {  	[tilespmem:$0x13040] =	vst v1  }
0x6a: {  	[tilespmem:$0x13050] =	vst v1;
	s6 =	stileid.u32  }
0x6b: {  	[tilespmem:$0x13060] =	vst v1;
	s11 =	rddreg [dreg:$0x6];
	s12 =	sshll.u32 @p0 s6, $0x6  }
0x6c: {  	[tilespmem:$0x13070] =	vst v1;
	s15 =	sshrl.u32 @p0 s11, $0x3;
	s11 =	rddreg [dreg:$0x8];
	s12 =	sor.u32 @p0 $0x1C06, s12  }
0x6d: {  	[spmem:s15], [sflag:s12] =	dma.local @p0 [hbm:s11], $0x1300  }
0x6e: {  	s15 =	simm.s32 @p0 $0x6  }
0x6f: {  	_ =	swait.ge @p0 [sflag:s15], $0x1300  }
0x70: {  	[sflag:s15] =	ssyncset.done @p0 $0x0  }
0x71: {  	s11 =	rddreg [dreg:$0x9];
	[sflag:s15] =	ssyncadd.s32 @p0 $0xFFFFED00  }
0x72: {  	[spmem:s21], [sflag:s12] =	dma.local @p0 [hbm:s11], $0x1300  }
0x73: {  	_ =	swait.ge @p0 [sflag:s15], $0x1300  }
0x74: {  	s12 =	simm.s32 @!p1 $0x12C80;
	[sflag:s15] =	ssyncset.done @p0 $0x0  }
0x75: {  	s11 =	rddreg [dreg:$0xa];
	[sflag:s15] =	ssyncadd.s32 @p0 $0xFFFFED00;
	s15 =	simm.s32 @!p1 $0x6  }
0x76: {  	[spmem:s11] =	stream.linear.scatter @!p1 [tilespmem:s12], [sflag:$0x6], $0x400, $0x38;
	[tilespmem:$0x1F300] =	vst v63  }
0x77: {  	_ =	swait.ge @!p1 [sflag:s15], $0x400  }
0x78: {  	[sflag:s15] =	ssyncset.done @!p1 $0x0  }
0x79: {  	s11 =	rddreg [dreg:$0xc];
	[sflag:s15] =	ssyncadd.s32 @!p1 $0xFFFFFC00  }
0x7a: {  	[spmem:s11] =	stream.linear.scatter @!p1 [tilespmem:s12], [sflag:$0x6], $0x400, $0x38;
	[tilespmem:$0x1F300] =	vst v63  }
0x7b: {  	s12 =	sshll.u32 @!p0 s6, $0x6;
	_ =	swait.ge @!p1 [sflag:s15], $0x400  }
0x7c: {  	s12 =	sor.u32 @!p0 $0x1C06, s12;
	[sflag:s15] =	ssyncset.done @!p1 $0x0  }
0x7d: {  	s6 =	rddreg [dreg:$0x5];
	[sflag:s15] =	ssyncadd.s32 @!p1 $0xFFFFFC00;
	s15 =	simm.s32 @!p0 $0x6  }
0x7e: {  	[spmem:s22], [sflag:s12] =	dma.local @!p0 [hbm:s6], $0x1280  }
0x7f: {  	_ =	swait.ge @!p0 [sflag:s15], $0x1280  }
0x80: {  	[sflag:s15] =	ssyncset.done @!p0 $0x0  }
0x81: {  	s6 =	rddreg [dreg:$0x7];
	[sflag:s15] =	ssyncadd.s32 @!p0 $0xFFFFED80  }
0x82: {  	[spmem:s23], [sflag:s12] =	dma.local @!p0 [hbm:s6], $0x1280  }
0x83: {  	_ =	swait.ge @!p0 [sflag:s15], $0x1280  }
0x84: {  	[sflag:s15] =	ssyncset.done @!p0 $0x0  }
0x85: {  	[sflag:s15] =	ssyncadd.s32 @!p0 $0xFFFFED80  }
0x86: {  	[bflag:$0x0] =	sbarrier.arrive $0xFFFF  }
.Ltmp2:
0x87: {  	s15 =	simm.s32 $0x13080;
	s14 =	rddreg [dreg:$0xb];
	(pc) =	sbr.rel .LBB2_2-.Ltmp2, $4  }
0x88: {  	[tilespmem:s15], [sflag:$0x2] =	stream.linear.gather [hbm4b:s14+s3], $0x60, $0x38;
	[tilespmem:$0x1F300] =	vst v63  }
0x89: {  	s18 =	simm.s32 $0x130E0;
	s12 =	simm.s32 $0x0;
	s16 =	rddreg [dreg:$0xd]  }
0x8a: {  	[tilespmem:s18], [sflag:$0x2] =	stream.linear.gather [hbm4b:s16+s3], $0x60, $0x38;
	[tilespmem:$0x1F300] =	vst v63  }
0x8b: {  	s15 =	smov.u32 s1;
	s18 =	smov.u32 s9;
	s16 =	smov.u32 s10  }
.LBB2_4:
0x8c: {  	s12 =	sadd.s32 $0x300, s12  }
0x8d: {  	p2 =	sne.s32 s12, $0x4200  }
.Ltmp3:
0x8e: {  	_ = 	snop;
	(pc) =	sbr.rel @!p2 .LBB2_5-.Ltmp3, $2  }
0x8f: {  	_ =	sdelay $0x2  }
0x90: {  	s15 =	sadd.s32 $0x30000, s15;
	s16 =	sadd.s32 $0x40, s16;
	s18 =	sadd.s32 $0x1800, s18  }
.LBB2_2:
0x91: {  	s13 =	sadd.s32 $0xFFFFFFE0, s16  }
0x92: {  	p2 =	sgt.u32 s13, $0x545  }
0x93: {  	p3 =	sgt.u32 @!p2 s16, $0x545  }
0x94: {  	p4 =	por p3, p2  }
0x95: {  	s13 =	sadd.s32 @!p4 s12, s19;
	s14 =	simm.s32 @!p4 $0x0;
	s6 =	simm.s32 @!p4 $0x13140  }
0x96: {  	[tilespmem:s6], [sflag:$0x3] =	stream.linear.gather @!p4 [hbm4b:s13+s14], $0x60, $0x38;
	[tilespmem:$0x1F300] =	vst v63  }
0x97: {  	s6 =	sadd.s32 @!p4 s12, s20;
	s13 =	simm.s32 @!p4 $0x131A0  }
0x98: {  	[tilespmem:s13], [sflag:$0x3] =	stream.linear.gather @!p4 [hbm4b:s6+s14], $0x60, $0x38;
	[tilespmem:$0x1F300] =	vst v63  }
0x99: {  	p4 =	seq.s32 @!p2 s12, $0x0  }
0x9a: {  	p4 =	por p4, p2  }
0x9b: {  	s6 =	simm.s32 @!p4 $0x4  }
0x9c: {  	_ =	swait.ge @!p4 [sflag:s6], $0x6000  }
0x9d: {  	[sflag:s6] =	ssyncset.done @!p4 $0x0  }
0x9e: {  	[sflag:s6] =	ssyncadd.s32 @!p4 $0xFFFFA000;
	s6 =	simm.s32 @!p2 $0x2  }
0x9f: {  	_ =	swait.ge @!p2 [sflag:s6], $0x60  }
0xa0: {  	[sflag:s6] =	ssyncset.done @!p2 $0x0  }
0xa1: {  	[sflag:s6] =	ssyncadd.s32 @!p2 $0xFFFFFFA0  }
0xa2: {  	_ =	swait.ge @!p2 [sflag:s6], $0x60  }
0xa3: {  	[sflag:s6] =	ssyncset.done @!p2 $0x0  }
0xa4: {  	v13 =	vlaneseq.u32 @!p2;
	[sflag:s6] =	ssyncadd.s32 @!p2 $0xFFFFFFA0  }
0xa5: {  	v13 =	vmul.u32 @!p2 $0x2, v13;
	v14 =	vld @!p2 [tilespmem:$0x13080]  }
0xa6: {  	v15 =	vld @!p2 [tilespmem:$0x130E0]  }
0xa7: {  	v16 =	vor.u32 @!p2 $0x1, v13;
	_ =	sdelay $0x2  }
0xa8: {  	s6 =	simm.s32 @!p2 $0x13200  }
0xa9: {  	v15 =	vadd.s32 @!p2 $0x12C8, v15;
	[tilespmem:v13+s6+$0x0] =	vst.idx.msk @!p2 $0xffff, v14  }
0xaa: {  	[tilespmem:v16+s6+$0x0] =	vst.idx.msk @!p2 $0xffff, v15  }
0xab: {  	v14 =	vld @!p2 [tilespmem:$0x13090]  }
0xac: {  	v16 =	vor.u32 @!p2 $0x20, v13;
	v15 =	vld @!p2 [tilespmem:$0x130F0]  }
0xad: {  	v17 =	vor.u32 @!p2 $0x21, v13;
	_ =	sdelay $0x3  }
0xae: {  	v15 =	vadd.s32 @!p2 $0x12C8, v15;
	[tilespmem:v16+s6+$0x0] =	vst.idx.msk @!p2 $0xffff, v14  }
0xaf: {  	[tilespmem:v17+s6+$0x0] =	vst.idx.msk @!p2 $0xffff, v15  }
0xb0: {  	v14 =	vld @!p2 [tilespmem:$0x130A0]  }
0xb1: {  	v16 =	vor.u32 @!p2 $0x40, v13;
	v15 =	vld @!p2 [tilespmem:$0x13100]  }
0xb2: {  	v17 =	vor.u32 @!p2 $0x41, v13;
	_ =	sdelay $0x3  }
0xb3: {  	v15 =	vadd.s32 @!p2 $0x12C8, v15;
	[tilespmem:v16+s6+$0x0] =	vst.idx.msk @!p2 $0xffff, v14  }
0xb4: {  	[tilespmem:v17+s6+$0x0] =	vst.idx.msk @!p2 $0xffff, v15  }
0xb5: {  	v14 =	vld @!p2 [tilespmem:$0x130B0]  }
0xb6: {  	v16 =	vor.u32 @!p2 $0x60, v13;
	v15 =	vld @!p2 [tilespmem:$0x13110]  }
0xb7: {  	v17 =	vor.u32 @!p2 $0x61, v13;
	_ =	sdelay $0x3  }
0xb8: {  	v15 =	vadd.s32 @!p2 $0x12C8, v15;
	[tilespmem:v16+s6+$0x0] =	vst.idx.msk @!p2 $0xffff, v14  }
0xb9: {  	[tilespmem:v17+s6+$0x0] =	vst.idx.msk @!p2 $0xffff, v15  }
0xba: {  	v14 =	vld @!p2 [tilespmem:$0x130C0]  }
0xbb: {  	v16 =	vor.u32 @!p2 $0x80, v13;
	v15 =	vld @!p2 [tilespmem:$0x13120]  }
0xbc: {  	v17 =	vor.u32 @!p2 $0x81, v13;
	_ =	sdelay $0x3  }
0xbd: {  	[tilespmem:v16+s6+$0x0] =	vst.idx.msk @!p2 $0xffff, v14;
	v14 =	vadd.s32 @!p2 $0x12C8, v15  }
0xbe: {  	[tilespmem:v17+s6+$0x0] =	vst.idx.msk @!p2 $0xffff, v14  }
0xbf: {  	v14 =	vld @!p2 [tilespmem:$0x130D0]  }
0xc0: {  	v16 =	vor.u32 @!p2 $0xA0, v13;
	v15 =	vld @!p2 [tilespmem:$0x13130]  }
0xc1: {  	v13 =	vor.u32 @!p2 $0xA1, v13;
	_ =	sdelay $0x3  }
0xc2: {  	v15 =	vadd.s32 @!p2 $0x12C8, v15;
	[tilespmem:v16+s6+$0x0] =	vst.idx.msk @!p2 $0xffff, v14  }
0xc3: {  	s13 =	simm.s32 @!p2 $0x80;
	s14 =	simm.s32 @!p2 $0x13300;
	[tilespmem:v13+s6+$0x0] =	vst.idx.msk @!p2 $0xffff, v15  }
0xc4: {  	[tilespmem:s14], [sflag:$0x1] =	stream.indirect.gather @!p2 [spmem:s2], $0x80, s6, s13, $0xb8;
	[tilespmem:$0x1F300] =	vst v63  }
0xc5: {  	s11 =	simm.s32 @!p2 $0x17300;
	s6 =	simm.s32 @!p2 $0x40;
	s13 =	simm.s32 @!p2 $0x13280  }
0xc6: {  	[tilespmem:s11], [sflag:$0x1] =	stream.indirect.gather @!p2 [spmem:s2], $0x80, s13, s6, $0xb8;
	[tilespmem:$0x1F300] =	vst v63  }
0xc7: {  	s6 =	simm.s32 @!p2 $0x1  }
0xc8: {  	_ =	swait.ge @!p2 [sflag:s6], $0x4000  }
0xc9: {  	[sflag:s6] =	ssyncset.done @!p2 $0x0  }
0xca: {  	[sflag:s6] =	ssyncadd.s32 @!p2 $0xFFFFC000  }
0xcb: {  	_ =	swait.ge @!p2 [sflag:s6], $0x2000  }
0xcc: {  	[sflag:s6] =	ssyncset.done @!p2 $0x0  }
0xcd: {  	s11 =	simm.s32 @!p2 $0x0;
	[sflag:s6] =	ssyncadd.s32 @!p2 $0xFFFFE000;
	s6 =	sadd.s32 @!p2 $0xFFFE8000, s15  }
0xce: {  	[hbm4b:s6+s11] =	stream.linear.scatter @!p2 [tilespmem:s14], [sflag:$0x4], $0x6000, $0x38;
	[tilespmem:$0x1F300] =	vst v63  }
0xcf: {  	p2 =	por p2, p3  }
.Ltmp4:
0xd0: {  	_ = 	snop;
	(pc) =	sbr.rel @p2 .LBB2_4-.Ltmp4, $1  }
0xd1: {  	_ =	sdelay $0x3  }
0xd2: {  	p2 =	sgt.u32 s16, $0x525  }
0xd3: {  	s6 =	sshrl.u32 @!p2 s18, $0x3  }
0xd4: {  	s11 =	simm.s32 @!p2 $0x0;
	s13 =	simm.s32 @!p2 $0x13080;
	s6 =	sadd.s32 @!p2 s4, s6  }
0xd5: {  	[tilespmem:s13], [sflag:$0x2] =	stream.linear.gather @!p2 [hbm4b:s6+s11], $0x60, $0x38;
	[tilespmem:$0x1F300] =	vst v63  }
0xd6: {  	s6 =	sadd.s32 @!p2 s12, s17;
	s13 =	simm.s32 @!p2 $0x130E0  }
0xd7: {  	[tilespmem:s13], [sflag:$0x2] =	stream.linear.gather @!p2 [hbm4b:s6+s11], $0x60, $0x38;
	[tilespmem:$0x1F300] =	vst v63  }
0xd8: {  	p2 =	seq.s32 s12, $0x0  }
0xd9: {  	s6 =	simm.s32 @!p2 $0x5  }
0xda: {  	_ =	swait.ge @!p2 [sflag:s6], $0x6000  }
0xdb: {  	[sflag:s6] =	ssyncset.done @!p2 $0x0  }
0xdc: {  	[sflag:s6] =	ssyncadd.s32 @!p2 $0xFFFFA000  }
0xdd: {  	_ =	swait.ge [sflag:s26], $0x60  }
0xde: {  	[sflag:s26] =	ssyncset.done $0x0  }
0xdf: {  	[sflag:s26] =	ssyncadd.s32 $0xFFFFFFA0  }
0xe0: {  	_ =	swait.ge [sflag:s26], $0x60  }
0xe1: {  	[sflag:s26] =	ssyncset.done $0x0  }
0xe2: {  	[sflag:s26] =	ssyncadd.s32 $0xFFFFFFA0  }
0xe3: {  	v13 =	vld [tilespmem:$0x13140]  }
0xe4: {  	v14 =	vld [tilespmem:$0x131A0];
	_ =	sdelay $0x4  }
0xe5: {  	v14 =	vadd.s32 $0x12C8, v14;
	[tilespmem:v0+s28+$0x0] =	vst.idx.msk $0xffff, v13  }
0xe6: {  	[tilespmem:v2+s28+$0x0] =	vst.idx.msk $0xffff, v14  }
0xe7: {  	v13 =	vld [tilespmem:$0x13150]  }
0xe8: {  	v14 =	vld [tilespmem:$0x131B0];
	_ =	sdelay $0x4  }
0xe9: {  	v14 =	vadd.s32 $0x12C8, v14;
	[tilespmem:v3+s28+$0x0] =	vst.idx.msk $0xffff, v13  }
0xea: {  	[tilespmem:v4+s28+$0x0] =	vst.idx.msk $0xffff, v14  }
0xeb: {  	v13 =	vld [tilespmem:$0x13160]  }
0xec: {  	v14 =	vld [tilespmem:$0x131C0];
	_ =	sdelay $0x4  }
0xed: {  	v14 =	vadd.s32 $0x12C8, v14;
	[tilespmem:v5+s28+$0x0] =	vst.idx.msk $0xffff, v13  }
0xee: {  	[tilespmem:v6+s28+$0x0] =	vst.idx.msk $0xffff, v14  }
0xef: {  	v13 =	vld [tilespmem:$0x13170]  }
0xf0: {  	v14 =	vld [tilespmem:$0x131D0];
	_ =	sdelay $0x4  }
0xf1: {  	v14 =	vadd.s32 $0x12C8, v14;
	[tilespmem:v7+s28+$0x0] =	vst.idx.msk $0xffff, v13  }
0xf2: {  	[tilespmem:v8+s28+$0x0] =	vst.idx.msk $0xffff, v14  }
0xf3: {  	v13 =	vld [tilespmem:$0x13180]  }
0xf4: {  	v14 =	vld [tilespmem:$0x131E0];
	_ =	sdelay $0x4  }
0xf5: {  	v14 =	vadd.s32 $0x12C8, v14;
	[tilespmem:v9+s28+$0x0] =	vst.idx.msk $0xffff, v13  }
0xf6: {  	[tilespmem:v10+s28+$0x0] =	vst.idx.msk $0xffff, v14  }
0xf7: {  	v13 =	vld [tilespmem:$0x13190]  }
0xf8: {  	v14 =	vld [tilespmem:$0x131F0];
	_ =	sdelay $0x4  }
0xf9: {  	v14 =	vadd.s32 $0x12C8, v14;
	[tilespmem:v11+s28+$0x0] =	vst.idx.msk $0xffff, v13  }
0xfa: {  	[tilespmem:v12+s28+$0x0] =	vst.idx.msk $0xffff, v14  }
0xfb: {  	[tilespmem:s30], [sflag:$0x1] =	stream.indirect.gather [spmem:s2], $0x80, s28, s29, $0xb8;
	[tilespmem:$0x1F300] =	vst v63  }
0xfc: {  	_ = 	snop  }
0xfd: {  	[tilespmem:s24], [sflag:$0x1] =	stream.indirect.gather [spmem:s2], $0x80, s0, s31, $0xb8;
	[tilespmem:$0x1F300] =	vst v63  }
0xfe: {  	_ =	swait.ge [sflag:s25], $0x4000  }
0xff: {  	[sflag:s25] =	ssyncset.done $0x0  }
.Ltmp5:
0x100: {  	[sflag:s25] =	ssyncadd.s32 $0xFFFFC000;
	(pc) =	sbr.rel .LBB2_4-.Ltmp5, $4  }
0x101: {  	_ =	swait.ge [sflag:s25], $0x2000  }
0x102: {  	[sflag:s25] =	ssyncset.done $0x0  }
0x103: {  	[sflag:s25] =	ssyncadd.s32 $0xFFFFE000  }
0x104: {  	[hbm4b:s15+s3] =	stream.linear.scatter [tilespmem:s30], [sflag:$0x5], $0x6000, $0x38;
	[tilespmem:$0x1F300] =	vst v63  }
.LBB2_6:
0x105: {  	_ =	sfence.sel $0x180000  }
0x106: {  	[bflag:$0x0] =	sbarrier.arrive $0xFFFF  }
0x107: {  	_ =	strace $0x90000047  }
0x108: {  	s0 =	stileid.u32;
	[bflag:$0x2] =	sbarrier.arrive $0xFFFF  }
0x109: {  	p0 =	sne.s32 s0, $0x0;
	s0 =	rddreg [dreg:$0x4]  }
0x10a: {  	s0 =	sadd.s32 @!p0 $0x100000, s0  }
0x10b: {  	[sflag:s0] =	ssyncadd.tile.s32 @!p0 $0x1;
	_ =	shalt  }
.Lfunc_end2:
_tile_overlayer_lowered:
.L_overlay_start_2:
0x10c: {  	(tag) =	ssettag $0x2  }
0x10d: {  	s0 =	rddreg [dreg:$0x0];
	s2 =	stileid.u32  }
0x10e: {  	s1 =	rddreg [dreg:$0x1];
	p0 =	sne.s32 s2, $0x0  }
0x10f: {  	s3 =	rddreg [dreg:$0x2];
	[bflag:$0x3] =	sbarrier.arrive $0xFFFF;
	s2 =	simm.s32 @!p0 $0x1C06  }
0x110: {  	[timem:s3], [sflag:s2] =	dma.local @!p0 [hbm:s0], s1  }
0x111: {  	s0 =	simm.s32 @!p0 $0x6  }
0x112: {  	_ =	swait.ge @!p0 [sflag:s0], s1  }
0x113: {  	s1 =	ssub.s32 @!p0 $0x0, s1;
	[sflag:s0] =	ssyncset.done @!p0 $0x0  }
0x114: {  	[sflag:s0] =	ssyncadd.s32 @!p0 s1  }
0x115: {  	[bflag:$0x3] =	sbarrier.arrive $0xFFFF  }
0x116: {  	_ =	shalt  }

</sc_bundles>
